<compile_context>
chip_gen: v7x
topology: tpu7x:2x2x1
jax: 0.10.2.dev20260603
libtpu: 0.0.44.dev20260713+nightly
codegen_flags: <defaults>
</compile_context>

<pallas_src>
import functools

import jax
import jax.numpy as jnp
from jax import lax
from jax.experimental import pallas as pl
from jax.experimental.pallas import tpu as pltpu
from jax.experimental.pallas import tpu_sc as plsc

_NC = 2
_NS = 16
_NW = _NC * _NS
_L = 16

_W = 128


def _bdot(u, v):
  return jax.lax.dot_general(
      u, v, (((1,), (0,)), ((), ())), preferred_element_type=jnp.float32)


def _split(a):
  ah = a.astype(jnp.bfloat16)
  al = (a - ah.astype(jnp.float32)).astype(jnp.bfloat16)
  return ah, al


def _dot3(a, bh, bl):
  ah, al = _split(a)
  return _bdot(ah, bh) + _bdot(al, bh) + _bdot(ah, bl)


def _dot_exact_rhs(a, b01):
  ah, al = _split(a)
  return _bdot(ah, b01) + _bdot(al, b01)


def _stage_a_body(x_ref, wh_ref, wl_ref, p_ref):
  u = pl.program_id(1)
  xb = x_ref[...]
  p2 = _dot3(xb, wh_ref[...], wl_ref[...])
  s = jnp.sum(xb, axis=1, keepdims=True)
  q = jnp.sum(xb * xb, axis=1, keepdims=True)
  colid = lax.broadcasted_iota(jnp.int32, p2.shape, 1)
  p2 = p2 + jnp.where(colid == 64, 1.0, 0.0) * s
  p2 = p2 + jnp.where(colid == 65, 1.0, 0.0) * q
  tval = jnp.where(u < 8, u, 0).astype(jnp.float32)
  p2 = p2 + jnp.where(colid == 66, 1.0, 0.0) * tval
  p_ref[...] = p2


def _stage_a(x, wcat_h, wcat_l, block_n):
  n, c = x.shape
  nu = wcat_h.shape[1] // _W
  nb = n // block_n
  grid = (nb, nu)
  return pl.pallas_call(
      _stage_a_body,
      grid=grid,
      in_specs=[
          pl.BlockSpec((block_n, c), lambda i, u: (i, 0)),
          pl.BlockSpec((c, _W), lambda i, u: (0, u)),
          pl.BlockSpec((c, _W), lambda i, u: (0, u)),
      ],
      out_specs=pl.BlockSpec((block_n, _W), lambda i, u: (u * nb + i, 0)),
      out_shape=jax.ShapeDtypeStruct((n * nu, _W), jnp.float32),
  )(x, wcat_h, wcat_l)


_CH = 256


def _stage_b(p_flat, rows, cols, types, n_nodes, e_edges):
  num_chunks = e_edges // _CH
  iters = (num_chunks + _NW - 1) // _NW
  mesh = plsc.VectorSubcoreMesh(core_axis_name="c", subcore_axis_name="s")

  @functools.partial(
      pl.kernel,
      out_type=jax.ShapeDtypeStruct((e_edges, _W), jnp.float32),
      mesh=mesh,
      scratch_types=[
          pltpu.VMEM((_CH,), jnp.int32),
          pltpu.VMEM((_CH,), jnp.int32),
          pltpu.VMEM((_CH,), jnp.int32),
          pltpu.VMEM((2, 128), jnp.int32),
          pltpu.VMEM((2, 128), jnp.int32),
          pltpu.VMEM((_CH, _W), jnp.float32),
          pltpu.VMEM((_CH, _W), jnp.float32),
          pltpu.SemaphoreType.DMA,
          pltpu.SemaphoreType.DMA,
          pltpu.SemaphoreType.DMA,
          pltpu.SemaphoreType.DMA,
      ],
  )
  def k(p_hbm, rows_hbm, cols_hbm, types_hbm, out_hbm,
        rows_v, cols_v, types_v, idxt_v, idxb_v, top_v, bot_v,
        sem0, sem1, sem2, sem3):
    wid = lax.axis_index("s") * _NC + lax.axis_index("c")

    lane = lax.iota(jnp.int32, _L)
    stat_scale = jnp.where(
        lane < 2, 1.0 / 256.0,
        jnp.where(lane == 2, 1.0, 0.0)).astype(jnp.float32)

    def chunk_body(i, carry):
      g = i * _NW + wid

      @pl.when(g < num_chunks)
      def _():
        base = g * _CH
        pltpu.sync_copy(rows_hbm.at[pl.ds(base, _CH)], rows_v)
        pltpu.sync_copy(cols_hbm.at[pl.ds(base, _CH)], cols_v)
        pltpu.sync_copy(types_hbm.at[pl.ds(base, _CH)], types_v)

        for kk in range(_CH // _L):
          sl = pl.ds(kk * _L, _L)
          r = rows_v[sl]
          c = cols_v[sl]
          t = types_v[sl]
          idxt_v[kk // 8, pl.ds((kk % 8) * _L, _L)] = t * n_nodes + r
          idxb_v[kk // 8, pl.ds((kk % 8) * _L, _L)] = (t + 8) * n_nodes + c

        cp0 = pltpu.async_copy(
            p_hbm.at[idxt_v.at[0]], top_v.at[pl.ds(0, 128)], sem0)
        cp1 = pltpu.async_copy(
            p_hbm.at[idxt_v.at[1]], top_v.at[pl.ds(128, 128)], sem1)
        cp2 = pltpu.async_copy(
            p_hbm.at[idxb_v.at[0]], bot_v.at[pl.ds(0, 128)], sem2)
        cp3 = pltpu.async_copy(
            p_hbm.at[idxb_v.at[1]], bot_v.at[pl.ds(128, 128)], sem3)
        cp0.wait()
        cp1.wait()
        cp2.wait()
        cp3.wait()

        def add_row(j, carry2):
          for p2 in range(4):
            sl2 = pl.ds(p2 * _L, _L)
            top_v[j, sl2] = top_v[j, sl2] + bot_v[j, sl2]
          sl3 = pl.ds(64, _L)
          top_v[j, sl3] = (top_v[j, sl3] + bot_v[j, sl3]) * stat_scale
          return carry2

        lax.fori_loop(0, _CH, add_row, 0)

        pltpu.sync_copy(top_v, out_hbm.at[pl.ds(base, _CH)])

      return carry

    lax.fori_loop(0, iters, chunk_body, 0)

  return k(p_flat, rows, cols, types)


def _stage_c_body(n_types, d_out, gc_ref, selh_ref, sell_ref, w2h_ref,
                  w2l_ref, out_ref):
  blk = gc_ref.shape[0]
  dd = d_out * d_out
  h = w2h_ref.shape[0]
  gc = gc_ref[...]
  g = gc[:, :64]
  mean = gc[:, 64:65]
  msq = gc[:, 65:66]
  t_f = gc[:, 66:67]
  var = msq - mean * mean
  rstd = jax.lax.rsqrt(var + 1e-5)

  t_i = t_f.astype(jnp.int32)
  oh = (t_i == lax.broadcasted_iota(jnp.int32, (blk, n_types), 1))
  oh = oh.astype(jnp.bfloat16)
  sel = _bdot(oh, selh_ref[...]) + _bdot(oh, sell_ref[...])
  s1s = sel[:, :h]
  c1s = sel[:, h:2 * h]
  b2s = sel[:, 2 * h:2 * h + dd]

  h1 = jnp.maximum((g - mean * s1s) * rstd + c1s, 0.0)
  y = _dot3(h1, w2h_ref[...], w2l_ref[...])

  lane16 = lax.broadcasted_iota(jnp.int32, (blk, n_types * dd), 1) // dd
  ysel = jnp.where(lane16 == t_i, y, 0.0)
  ci = lax.broadcasted_iota(jnp.int32, (n_types * dd, dd), 0) % dd
  cj = lax.broadcasted_iota(jnp.int32, (n_types * dd, dd), 1)
  cmat = (ci == cj).astype(jnp.bfloat16)
  acc = _dot_exact_rhs(ysel, cmat) + b2s

  ez = jnp.exp(acc)
  gi = lax.broadcasted_iota(jnp.int32, (dd, dd), 0) // d_out
  gj = lax.broadcasted_iota(jnp.int32, (dd, dd), 1) // d_out
  gmat = (gi == gj).astype(jnp.bfloat16)
  ssum = _dot_exact_rhs(ez, gmat)
  soft = ez / ssum

  ii = lax.broadcasted_iota(jnp.int32, (blk, dd), 1)
  eyef = jnp.where(ii % (d_out + 1) == 0, 1.0, 0.0).astype(jnp.float32)
  out_ref[...] = eyef - soft


def _stage_c(gcomb, s1, c1, w2cat, b2, block_e):
  e = gcomb.shape[0]
  h = s1.shape[1]
  n_types = s1.shape[0]
  ddim = b2.shape[1]
  d_out = 4
  sel = jnp.concatenate([s1, c1, b2], axis=1)
  selh, sell = _split(sel)
  w2h, w2l = _split(w2cat)
  grid = (e // block_e,)
  body = functools.partial(_stage_c_body, n_types, d_out)
  full = lambda i: (0, 0)
  return pl.pallas_call(
      body,
      grid=grid,
      in_specs=[
          pl.BlockSpec((block_e, _W), lambda i: (i, 0)),
          pl.BlockSpec((n_types, 2 * h + ddim), full),
          pl.BlockSpec((n_types, 2 * h + ddim), full),
          pl.BlockSpec((h, n_types * ddim), full),
          pl.BlockSpec((h, n_types * ddim), full),
      ],
      out_specs=pl.BlockSpec((block_e, ddim), lambda i: (i, 0)),
      out_shape=jax.ShapeDtypeStruct((e, ddim), jnp.float32),
  )(gcomb, selh, sell, w2h, w2l)


def kernel(x, edge_index, edge_types, ln_w, ln_b, W1, b1, W2, b2):
  n, c = x.shape
  e = edge_index.shape[1]
  t_types, c2, h = W1.shape
  dd = W2.shape[2]
  d = 4

  w1e = ln_w[:, :, None] * W1
  wtop = jnp.transpose(w1e[:, :c, :], (1, 0, 2))
  wbot = jnp.transpose(w1e[:, c:, :], (1, 0, 2))
  wall = jnp.concatenate([wtop, wbot], axis=1)
  pad = jnp.zeros((c, 2 * t_types, _W - h), jnp.float32)
  wcat = jnp.concatenate([wall, pad], axis=2).reshape(c, 2 * t_types * _W)
  s1 = jnp.sum(w1e, axis=1)
  c1 = jnp.einsum("tc,tch->th", ln_b, W1) + b1
  w2cat = jnp.transpose(W2, (1, 0, 2)).reshape(h, t_types * dd)

  rows = edge_index[0]
  cols = edge_index[1]
  types = edge_types.astype(jnp.int32)

  wcat_h, wcat_l = _split(wcat)
  p_flat = _stage_a(x, wcat_h, wcat_l, block_n=2000)

  gcomb = _stage_b(p_flat, rows, cols, types, n, e)

  out16 = _stage_c(gcomb, s1, c1, w2cat, b2, block_e=4000)
  return out16.reshape(e, d, d)

# --- scband reference (transcript-rebuilt; emitter-appended) ---
"""Pipeline reference for scband-attention-type-ensemble-sheaf-learner-31842887533262 (READ-ONLY COPY).

The authoritative reference and input builder live on the scoring server;
editing this copy changes nothing except your own understanding.
"""

import jax, jax.numpy as jnp
import numpy as np

N = 10000
E = 320000
C = 128
T = 8
H = 64
D = 4


def setup_inputs(seed: int = 0):
    key = jax.random.key(seed)
    ks = jax.random.split(key, 8)
    x = jax.random.normal(ks[0], (N, C), dtype=jnp.float32)
    edge_index = jax.random.randint(ks[1], (2, E), 0, N)
    edge_types = jax.random.randint(ks[2], (E,), 0, T)
    ln_w = jnp.ones((T, 2 * C), dtype=jnp.float32)
    ln_b = jnp.zeros((T, 2 * C), dtype=jnp.float32)
    W1 = jax.random.normal(ks[3], (T, 2 * C, H), dtype=jnp.float32) * 0.05
    b1 = jnp.zeros((T, H), dtype=jnp.float32)
    W2 = jax.random.normal(ks[4], (T, H, D * D), dtype=jnp.float32) * 0.05
    b2 = jnp.zeros((T, D * D), dtype=jnp.float32)
    return {"x": x, "edge_index": edge_index, "edge_types": edge_types,
            "ln_w": ln_w, "ln_b": ln_b, "W1": W1, "b1": b1, "W2": W2, "b2": b2}


def _forward(x, ln_w, ln_b, W1, b1, W2, b2, edge_index, edge_types):
    row = edge_index[0]
    col = edge_index[1]
    x_row = jnp.take(x, row, axis=0)
    x_col = jnp.take(x, col, axis=0)
    h_cat = jnp.concatenate([x_row, x_col], axis=-1)
    # LayerNorm over last dim (eps=1e-5, population variance, per-type affine)
    mean = jnp.mean(h_cat, axis=-1, keepdims=True)
    var = jnp.var(h_cat, axis=-1, keepdims=True)
    h_norm = (h_cat - mean) / jnp.sqrt(var + 1e-5)
    # Per-edge-type expert MLP; equivalent to torch's sort/split/unsort grouping:
    # each edge is processed by the MLP of its own type.
    out = jnp.zeros((h_cat.shape[0], D * D), dtype=h_cat.dtype)
    for t in range(T):
        mask = (edge_types == t).astype(h_cat.dtype)[:, None]
        h_ln = h_norm * ln_w[t] + ln_b[t]
        h1 = jax.nn.relu(h_ln @ W1[t] + b1[t])
        h2 = h1 @ W2[t] + b2[t]
        out = out + mask * h2
    h_sheaf = out.reshape(-1, D, D)
    attention_maps = jax.nn.softmax(h_sheaf, axis=-1)
    eye = jnp.eye(D, dtype=h_sheaf.dtype)[None]
    # is_general (2D out_shape) -> return sheaf_maps directly
    return eye - attention_maps


def reference(x, edge_index, edge_types, ln_w, ln_b, W1, b1, W2, b2):
    return _forward(x, ln_w, ln_b, W1, b1, W2, b2, edge_index, edge_types)

if __name__ == "__main__":
    import jax
    _d = setup_inputs()
    print(jax.jit(kernel)(*tuple(_d.values())))

</pallas_src>

<mosaic_0001>
#map = affine_map<(d0, d1) -> (0, 0)>
#map1 = affine_map<(d0, d1) -> (0)>
module attributes {stable_mosaic.version = 14 : i64} {
  func.func @k(%arg0: i32, %arg1: i32, %arg2: memref<160000x128xf32, #tpu.memory_space<hbm>>, %arg3: memref<320000xi32, #tpu.memory_space<hbm>>, %arg4: memref<320000xi32, #tpu.memory_space<hbm>>, %arg5: memref<320000xi32, #tpu.memory_space<hbm>>, %arg6: memref<320000x128xf32, #tpu.memory_space<hbm>>, %arg7: memref<256xi32, #tpu.memory_space<vmem>>, %arg8: memref<256xi32, #tpu.memory_space<vmem>>, %arg9: memref<256xi32, #tpu.memory_space<vmem>>, %arg10: memref<2x128xi32, #tpu.memory_space<vmem>>, %arg11: memref<2x128xi32, #tpu.memory_space<vmem>>, %arg12: memref<256x128xf32, #tpu.memory_space<vmem>>, %arg13: memref<256x128xf32, #tpu.memory_space<vmem>>, %arg14: memref<!tpu.dma_semaphore, #tpu.memory_space<semaphore_mem>>, %arg15: memref<!tpu.dma_semaphore, #tpu.memory_space<semaphore_mem>>, %arg16: memref<!tpu.dma_semaphore, #tpu.memory_space<semaphore_mem>>, %arg17: memref<!tpu.dma_semaphore, #tpu.memory_space<semaphore_mem>>) attributes {dimension_semantics = [#tpu.dimension_semantics<core_parallel>, #tpu.dimension_semantics<subcore_parallel>], iteration_bounds = array<i64: 2, 16>, scalar_prefetch = 0 : i64, scratch_operands = 11 : i64, tpu.core_type = #tpu.core_type<sc_vector_subcore>, window_params = [{transform_indices = #map}, {transform_indices = #map1}, {transform_indices = #map1}, {transform_indices = #map1}, {transform_indices = #map}]} {
    %mul3A = arith.constant 2 : i32
    %mul3A_0 = arith.muli %arg1, %mul3A : i32
    %add3A = arith.addi %mul3A_0, %arg0 : i32
    %iota3A = tpu.iota {dimensions = array<i32: 0>} : vector<16xi32>
    %lt3A = arith.constant 2 : i32
    %lt3A_1 = vector.broadcast %lt3A : i32 to vector<16xi32>
    %lt3A_2 = arith.cmpi slt, %iota3A, %lt3A_1 : vector<16xi32>
    %eq3A = arith.constant 2 : i32
    %eq3A_3 = vector.broadcast %eq3A : i32 to vector<16xi32>
    %eq3A_4 = arith.cmpi eq, %iota3A, %eq3A_3 : vector<16xi32>
    %jit3A = arith.constant 1.000000e+00 : f32
    %jit3A_5 = arith.constant 0.000000e+00 : f32
    %broadcast_in_dim3A = vector.broadcast %jit3A : f32 to vector<16xf32>
    %broadcast_in_dim3A_6 = vector.broadcast %jit3A_5 : f32 to vector<16xf32>
    %select_n3A = arith.select %eq3A_4, %broadcast_in_dim3A, %broadcast_in_dim3A_6 : vector<16xi1>, vector<16xf32>
    %jit3A_7 = arith.constant 3.906250e-03 : f32
    %broadcast_in_dim3A_8 = vector.broadcast %jit3A_7 : f32 to vector<16xf32>
    %select_n3A_9 = arith.select %lt3A_2, %broadcast_in_dim3A_8, %select_n3A : vector<16xi1>, vector<16xf32>
    %scan3A = arith.constant 0 : i32
    %scan3A_10 = arith.constant 0 : i32
    %scan3A_11 = arith.constant 40 : i32
    %scan3A_12 = arith.addi %scan3A_10, %scan3A_11 : i32
    %scan3A_13 = arith.constant 1 : i32
    scf.for %scan3A_15 = %scan3A_10 to %scan3A_12 step %scan3A_13  : i32 {
      %mul3A_16 = arith.constant 32 : i32
      %mul3A_17 = arith.muli %scan3A_15, %mul3A_16 : i32
      %add3A_18 = arith.addi %mul3A_17, %add3A : i32
      %lt3A_19 = arith.constant 1250 : i32
      %lt3A_20 = arith.cmpi slt, %add3A_18, %lt3A_19 : i32
      %convert_element_type3A = arith.extui %lt3A_20 : i1 to i32
      %cond3A = arith.constant 0 : i32
      %cond3A_21 = arith.cmpi ne, %convert_element_type3A, %cond3A : i32
      scf.if %cond3A_21 {
        %mul3A_22 = arith.constant 256 : i32
        %mul3A_23 = arith.muli %add3A_18, %mul3A_22 : i32
        "tpu.region"() ({
          %run_scoped3A = tpu.sem_alloc : memref<!tpu.dma_semaphore, #tpu.memory_space<semaphore_mem>>
          %dma_start3A_618 = tpu.memref_slice %arg3[%mul3A_23] : memref<320000xi32, #tpu.memory_space<hbm>> -> memref<256xi32, #tpu.memory_space<hbm>>
          %dma_start3A_619 = tpu.memref_slice %arg3[%mul3A_23] : memref<320000xi32, #tpu.memory_space<hbm>> -> memref<256xi32, #tpu.memory_space<hbm>>
          tpu.enqueue_dma source(%dma_start3A_619 : memref<256xi32, #tpu.memory_space<hbm>>) target(%arg7 : memref<256xi32, #tpu.memory_space<vmem>>) target_semaphore(%run_scoped3A : memref<!tpu.dma_semaphore, #tpu.memory_space<semaphore_mem>>)
          %dma_wait3A_620 = tpu.memref_slice %arg3[%mul3A_23] : memref<320000xi32, #tpu.memory_space<hbm>> -> memref<256xi32, #tpu.memory_space<hbm>>
          %dma_wait3A_621 = tpu.memref_slice %arg3[%mul3A_23] : memref<320000xi32, #tpu.memory_space<hbm>> -> memref<256xi32, #tpu.memory_space<hbm>>
          tpu.wait_dma2 semaphore(%run_scoped3A : memref<!tpu.dma_semaphore, #tpu.memory_space<semaphore_mem>>) src(%dma_wait3A_621 : memref<256xi32, #tpu.memory_space<hbm>>) dst(%arg7 : memref<256xi32, #tpu.memory_space<vmem>>)
          tpu.yield
        }) : () -> ()
        "tpu.region"() ({
          %run_scoped3A = tpu.sem_alloc : memref<!tpu.dma_semaphore, #tpu.memory_space<semaphore_mem>>
          %dma_start3A_618 = tpu.memref_slice %arg4[%mul3A_23] : memref<320000xi32, #tpu.memory_space<hbm>> -> memref<256xi32, #tpu.memory_space<hbm>>
          %dma_start3A_619 = tpu.memref_slice %arg4[%mul3A_23] : memref<320000xi32, #tpu.memory_space<hbm>> -> memref<256xi32, #tpu.memory_space<hbm>>
          tpu.enqueue_dma source(%dma_start3A_619 : memref<256xi32, #tpu.memory_space<hbm>>) target(%arg8 : memref<256xi32, #tpu.memory_space<vmem>>) target_semaphore(%run_scoped3A : memref<!tpu.dma_semaphore, #tpu.memory_space<semaphore_mem>>)
          %dma_wait3A_620 = tpu.memref_slice %arg4[%mul3A_23] : memref<320000xi32, #tpu.memory_space<hbm>> -> memref<256xi32, #tpu.memory_space<hbm>>
          %dma_wait3A_621 = tpu.memref_slice %arg4[%mul3A_23] : memref<320000xi32, #tpu.memory_space<hbm>> -> memref<256xi32, #tpu.memory_space<hbm>>
          tpu.wait_dma2 semaphore(%run_scoped3A : memref<!tpu.dma_semaphore, #tpu.memory_space<semaphore_mem>>) src(%dma_wait3A_621 : memref<256xi32, #tpu.memory_space<hbm>>) dst(%arg8 : memref<256xi32, #tpu.memory_space<vmem>>)
          tpu.yield
        }) : () -> ()
        "tpu.region"() ({
          %run_scoped3A = tpu.sem_alloc : memref<!tpu.dma_semaphore, #tpu.memory_space<semaphore_mem>>
          %dma_start3A_618 = tpu.memref_slice %arg5[%mul3A_23] : memref<320000xi32, #tpu.memory_space<hbm>> -> memref<256xi32, #tpu.memory_space<hbm>>
          %dma_start3A_619 = tpu.memref_slice %arg5[%mul3A_23] : memref<320000xi32, #tpu.memory_space<hbm>> -> memref<256xi32, #tpu.memory_space<hbm>>
          tpu.enqueue_dma source(%dma_start3A_619 : memref<256xi32, #tpu.memory_space<hbm>>) target(%arg9 : memref<256xi32, #tpu.memory_space<vmem>>) target_semaphore(%run_scoped3A : memref<!tpu.dma_semaphore, #tpu.memory_space<semaphore_mem>>)
          %dma_wait3A_620 = tpu.memref_slice %arg5[%mul3A_23] : memref<320000xi32, #tpu.memory_space<hbm>> -> memref<256xi32, #tpu.memory_space<hbm>>
          %dma_wait3A_621 = tpu.memref_slice %arg5[%mul3A_23] : memref<320000xi32, #tpu.memory_space<hbm>> -> memref<256xi32, #tpu.memory_space<hbm>>
          tpu.wait_dma2 semaphore(%run_scoped3A : memref<!tpu.dma_semaphore, #tpu.memory_space<semaphore_mem>>) src(%dma_wait3A_621 : memref<256xi32, #tpu.memory_space<hbm>>) dst(%arg9 : memref<256xi32, #tpu.memory_space<vmem>>)
          tpu.yield
        }) : () -> ()
        %get3A = arith.constant 0 : index
        %get3A_24 = tpu.vector_load %arg7[%get3A] {strides = array<i32>} : memref<256xi32, #tpu.memory_space<vmem>>, vector<16xi32>,
        %get3A_25 = vector.shape_cast %get3A_24 : vector<16xi32> to vector<16xi32>
        %get3A_26 = arith.constant 0 : index
        %get3A_27 = tpu.vector_load %arg8[%get3A_26] {strides = array<i32>} : memref<256xi32, #tpu.memory_space<vmem>>, vector<16xi32>,
        %get3A_28 = vector.shape_cast %get3A_27 : vector<16xi32> to vector<16xi32>
        %get3A_29 = arith.constant 0 : index
        %get3A_30 = tpu.vector_load %arg9[%get3A_29] {strides = array<i32>} : memref<256xi32, #tpu.memory_space<vmem>>, vector<16xi32>,
        %get3A_31 = vector.shape_cast %get3A_30 : vector<16xi32> to vector<16xi32>
        %mul3A_32 = arith.constant 10000 : i32
        %mul3A_33 = vector.broadcast %mul3A_32 : i32 to vector<16xi32>
        %mul3A_34 = arith.muli %get3A_31, %mul3A_33 : vector<16xi32>
        %add3A_35 = arith.addi %mul3A_34, %get3A_25 : vector<16xi32>
        %swap3A = arith.constant 0 : i32
        %swap3A_36 = arith.index_cast %swap3A : i32 to index
        %swap3A_37 = arith.constant 0 : index
        %swap3A_38 = tpu.vector_load %arg10[%swap3A_36, %swap3A_37] {strides = array<i32>} : memref<2x128xi32, #tpu.memory_space<vmem>>, vector<1x16xi32>,
        %swap3A_39 = vector.shape_cast %swap3A_38 : vector<1x16xi32> to vector<16xi32>
        %swap3A_40 = vector.shape_cast %add3A_35 : vector<16xi32> to vector<1x16xi32>
        tpu.vector_store %arg10[%swap3A_36, %swap3A_37], %swap3A_40 {strides = array<i32>} : memref<2x128xi32, #tpu.memory_space<vmem>>, vector<1x16xi32>,
        %add3A_41 = arith.constant 8 : i32
        %add3A_42 = vector.broadcast %add3A_41 : i32 to vector<16xi32>
        %add3A_43 = arith.addi %get3A_31, %add3A_42 : vector<16xi32>
        %mul3A_44 = arith.constant 10000 : i32
        %mul3A_45 = vector.broadcast %mul3A_44 : i32 to vector<16xi32>
        %mul3A_46 = arith.muli %add3A_43, %mul3A_45 : vector<16xi32>
        %add3A_47 = arith.addi %mul3A_46, %get3A_28 : vector<16xi32>
        %swap3A_48 = arith.constant 0 : i32
        %swap3A_49 = arith.index_cast %swap3A_48 : i32 to index
        %swap3A_50 = arith.constant 0 : index
        %swap3A_51 = tpu.vector_load %arg11[%swap3A_49, %swap3A_50] {strides = array<i32>} : memref<2x128xi32, #tpu.memory_space<vmem>>, vector<1x16xi32>,
        %swap3A_52 = vector.shape_cast %swap3A_51 : vector<1x16xi32> to vector<16xi32>
        %swap3A_53 = vector.shape_cast %add3A_47 : vector<16xi32> to vector<1x16xi32>
        tpu.vector_store %arg11[%swap3A_49, %swap3A_50], %swap3A_53 {strides = array<i32>} : memref<2x128xi32, #tpu.memory_space<vmem>>, vector<1x16xi32>,
        %get3A_54 = arith.constant 16 : index
        %get3A_55 = tpu.vector_load %arg7[%get3A_54] {strides = array<i32>} : memref<256xi32, #tpu.memory_space<vmem>>, vector<16xi32>,
        %get3A_56 = vector.shape_cast %get3A_55 : vector<16xi32> to vector<16xi32>
        %get3A_57 = arith.constant 16 : index
        %get3A_58 = tpu.vector_load %arg8[%get3A_57] {strides = array<i32>} : memref<256xi32, #tpu.memory_space<vmem>>, vector<16xi32>,
        %get3A_59 = vector.shape_cast %get3A_58 : vector<16xi32> to vector<16xi32>
        %get3A_60 = arith.constant 16 : index
        %get3A_61 = tpu.vector_load %arg9[%get3A_60] {strides = array<i32>} : memref<256xi32, #tpu.memory_space<vmem>>, vector<16xi32>,
        %get3A_62 = vector.shape_cast %get3A_61 : vector<16xi32> to vector<16xi32>
        %mul3A_63 = arith.constant 10000 : i32
        %mul3A_64 = vector.broadcast %mul3A_63 : i32 to vector<16xi32>
        %mul3A_65 = arith.muli %get3A_62, %mul3A_64 : vector<16xi32>
        %add3A_66 = arith.addi %mul3A_65, %get3A_56 : vector<16xi32>
        %swap3A_67 = arith.constant 0 : i32
        %swap3A_68 = arith.index_cast %swap3A_67 : i32 to index
        %swap3A_69 = arith.constant 16 : index
        %swap3A_70 = tpu.vector_load %arg10[%swap3A_68, %swap3A_69] {strides = array<i32>} : memref<2x128xi32, #tpu.memory_space<vmem>>, vector<1x16xi32>,
        %swap3A_71 = vector.shape_cast %swap3A_70 : vector<1x16xi32> to vector<16xi32>
        %swap3A_72 = vector.shape_cast %add3A_66 : vector<16xi32> to vector<1x16xi32>
        tpu.vector_store %arg10[%swap3A_68, %swap3A_69], %swap3A_72 {strides = array<i32>} : memref<2x128xi32, #tpu.memory_space<vmem>>, vector<1x16xi32>,
        %add3A_73 = arith.constant 8 : i32
        %add3A_74 = vector.broadcast %add3A_73 : i32 to vector<16xi32>
        %add3A_75 = arith.addi %get3A_62, %add3A_74 : vector<16xi32>
        %mul3A_76 = arith.constant 10000 : i32
        %mul3A_77 = vector.broadcast %mul3A_76 : i32 to vector<16xi32>
        %mul3A_78 = arith.muli %add3A_75, %mul3A_77 : vector<16xi32>
        %add3A_79 = arith.addi %mul3A_78, %get3A_59 : vector<16xi32>
        %swap3A_80 = arith.constant 0 : i32
        %swap3A_81 = arith.index_cast %swap3A_80 : i32 to index
        %swap3A_82 = arith.constant 16 : index
        %swap3A_83 = tpu.vector_load %arg11[%swap3A_81, %swap3A_82] {strides = array<i32>} : memref<2x128xi32, #tpu.memory_space<vmem>>, vector<1x16xi32>,
        %swap3A_84 = vector.shape_cast %swap3A_83 : vector<1x16xi32> to vector<16xi32>
        %swap3A_85 = vector.shape_cast %add3A_79 : vector<16xi32> to vector<1x16xi32>
        tpu.vector_store %arg11[%swap3A_81, %swap3A_82], %swap3A_85 {strides = array<i32>} : memref<2x128xi32, #tpu.memory_space<vmem>>, vector<1x16xi32>,
        %get3A_86 = arith.constant 32 : index
        %get3A_87 = tpu.vector_load %arg7[%get3A_86] {strides = array<i32>} : memref<256xi32, #tpu.memory_space<vmem>>, vector<16xi32>,
        %get3A_88 = vector.shape_cast %get3A_87 : vector<16xi32> to vector<16xi32>
        %get3A_89 = arith.constant 32 : index
        %get3A_90 = tpu.vector_load %arg8[%get3A_89] {strides = array<i32>} : memref<256xi32, #tpu.memory_space<vmem>>, vector<16xi32>,
        %get3A_91 = vector.shape_cast %get3A_90 : vector<16xi32> to vector<16xi32>
        %get3A_92 = arith.constant 32 : index
        %get3A_93 = tpu.vector_load %arg9[%get3A_92] {strides = array<i32>} : memref<256xi32, #tpu.memory_space<vmem>>, vector<16xi32>,
        %get3A_94 = vector.shape_cast %get3A_93 : vector<16xi32> to vector<16xi32>
        %mul3A_95 = arith.constant 10000 : i32
        %mul3A_96 = vector.broadcast %mul3A_95 : i32 to vector<16xi32>
        %mul3A_97 = arith.muli %get3A_94, %mul3A_96 : vector<16xi32>
        %add3A_98 = arith.addi %mul3A_97, %get3A_88 : vector<16xi32>
        %swap3A_99 = arith.constant 0 : i32
        %swap3A_100 = arith.index_cast %swap3A_99 : i32 to index
        %swap3A_101 = arith.constant 32 : index
        %swap3A_102 = tpu.vector_load %arg10[%swap3A_100, %swap3A_101] {strides = array<i32>} : memref<2x128xi32, #tpu.memory_space<vmem>>, vector<1x16xi32>,
        %swap3A_103 = vector.shape_cast %swap3A_102 : vector<1x16xi32> to vector<16xi32>
        %swap3A_104 = vector.shape_cast %add3A_98 : vector<16xi32> to vector<1x16xi32>
        tpu.vector_store %arg10[%swap3A_100, %swap3A_101], %swap3A_104 {strides = array<i32>} : memref<2x128xi32, #tpu.memory_space<vmem>>, vector<1x16xi32>,
        %add3A_105 = arith.constant 8 : i32
        %add3A_106 = vector.broadcast %add3A_105 : i32 to vector<16xi32>
        %add3A_107 = arith.addi %get3A_94, %add3A_106 : vector<16xi32>
        %mul3A_108 = arith.constant 10000 : i32
        %mul3A_109 = vector.broadcast %mul3A_108 : i32 to vector<16xi32>
        %mul3A_110 = arith.muli %add3A_107, %mul3A_109 : vector<16xi32>
        %add3A_111 = arith.addi %mul3A_110, %get3A_91 : vector<16xi32>
        %swap3A_112 = arith.constant 0 : i32
        %swap3A_113 = arith.index_cast %swap3A_112 : i32 to index
        %swap3A_114 = arith.constant 32 : index
        %swap3A_115 = tpu.vector_load %arg11[%swap3A_113, %swap3A_114] {strides = array<i32>} : memref<2x128xi32, #tpu.memory_space<vmem>>, vector<1x16xi32>,
        %swap3A_116 = vector.shape_cast %swap3A_115 : vector<1x16xi32> to vector<16xi32>
        %swap3A_117 = vector.shape_cast %add3A_111 : vector<16xi32> to vector<1x16xi32>
        tpu.vector_store %arg11[%swap3A_113, %swap3A_114], %swap3A_117 {strides = array<i32>} : memref<2x128xi32, #tpu.memory_space<vmem>>, vector<1x16xi32>,
        %get3A_118 = arith.constant 48 : index
        %get3A_119 = tpu.vector_load %arg7[%get3A_118] {strides = array<i32>} : memref<256xi32, #tpu.memory_space<vmem>>, vector<16xi32>,
        %get3A_120 = vector.shape_cast %get3A_119 : vector<16xi32> to vector<16xi32>
        %get3A_121 = arith.constant 48 : index
        %get3A_122 = tpu.vector_load %arg8[%get3A_121] {strides = array<i32>} : memref<256xi32, #tpu.memory_space<vmem>>, vector<16xi32>,
        %get3A_123 = vector.shape_cast %get3A_122 : vector<16xi32> to vector<16xi32>
        %get3A_124 = arith.constant 48 : index
        %get3A_125 = tpu.vector_load %arg9[%get3A_124] {strides = array<i32>} : memref<256xi32, #tpu.memory_space<vmem>>, vector<16xi32>,
        %get3A_126 = vector.shape_cast %get3A_125 : vector<16xi32> to vector<16xi32>
        %mul3A_127 = arith.constant 10000 : i32
        %mul3A_128 = vector.broadcast %mul3A_127 : i32 to vector<16xi32>
        %mul3A_129 = arith.muli %get3A_126, %mul3A_128 : vector<16xi32>
        %add3A_130 = arith.addi %mul3A_129, %get3A_120 : vector<16xi32>
        %swap3A_131 = arith.constant 0 : i32
        %swap3A_132 = arith.index_cast %swap3A_131 : i32 to index
        %swap3A_133 = arith.constant 48 : index
        %swap3A_134 = tpu.vector_load %arg10[%swap3A_132, %swap3A_133] {strides = array<i32>} : memref<2x128xi32, #tpu.memory_space<vmem>>, vector<1x16xi32>,
        %swap3A_135 = vector.shape_cast %swap3A_134 : vector<1x16xi32> to vector<16xi32>
        %swap3A_136 = vector.shape_cast %add3A_130 : vector<16xi32> to vector<1x16xi32>
        tpu.vector_store %arg10[%swap3A_132, %swap3A_133], %swap3A_136 {strides = array<i32>} : memref<2x128xi32, #tpu.memory_space<vmem>>, vector<1x16xi32>,
        %add3A_137 = arith.constant 8 : i32
        %add3A_138 = vector.broadcast %add3A_137 : i32 to vector<16xi32>
        %add3A_139 = arith.addi %get3A_126, %add3A_138 : vector<16xi32>
        %mul3A_140 = arith.constant 10000 : i32
        %mul3A_141 = vector.broadcast %mul3A_140 : i32 to vector<16xi32>
        %mul3A_142 = arith.muli %add3A_139, %mul3A_141 : vector<16xi32>
        %add3A_143 = arith.addi %mul3A_142, %get3A_123 : vector<16xi32>
        %swap3A_144 = arith.constant 0 : i32
        %swap3A_145 = arith.index_cast %swap3A_144 : i32 to index
        %swap3A_146 = arith.constant 48 : index
        %swap3A_147 = tpu.vector_load %arg11[%swap3A_145, %swap3A_146] {strides = array<i32>} : memref<2x128xi32, #tpu.memory_space<vmem>>, vector<1x16xi32>,
        %swap3A_148 = vector.shape_cast %swap3A_147 : vector<1x16xi32> to vector<16xi32>
        %swap3A_149 = vector.shape_cast %add3A_143 : vector<16xi32> to vector<1x16xi32>
        tpu.vector_store %arg11[%swap3A_145, %swap3A_146], %swap3A_149 {strides = array<i32>} : memref<2x128xi32, #tpu.memory_space<vmem>>, vector<1x16xi32>,
        %get3A_150 = arith.constant 64 : index
        %get3A_151 = tpu.vector_load %arg7[%get3A_150] {strides = array<i32>} : memref<256xi32, #tpu.memory_space<vmem>>, vector<16xi32>,
        %get3A_152 = vector.shape_cast %get3A_151 : vector<16xi32> to vector<16xi32>
        %get3A_153 = arith.constant 64 : index
        %get3A_154 = tpu.vector_load %arg8[%get3A_153] {strides = array<i32>} : memref<256xi32, #tpu.memory_space<vmem>>, vector<16xi32>,
        %get3A_155 = vector.shape_cast %get3A_154 : vector<16xi32> to vector<16xi32>
        %get3A_156 = arith.constant 64 : index
        %get3A_157 = tpu.vector_load %arg9[%get3A_156] {strides = array<i32>} : memref<256xi32, #tpu.memory_space<vmem>>, vector<16xi32>,
        %get3A_158 = vector.shape_cast %get3A_157 : vector<16xi32> to vector<16xi32>
        %mul3A_159 = arith.constant 10000 : i32
        %mul3A_160 = vector.broadcast %mul3A_159 : i32 to vector<16xi32>
        %mul3A_161 = arith.muli %get3A_158, %mul3A_160 : vector<16xi32>
        %add3A_162 = arith.addi %mul3A_161, %get3A_152 : vector<16xi32>
        %swap3A_163 = arith.constant 0 : i32
        %swap3A_164 = arith.index_cast %swap3A_163 : i32 to index
        %swap3A_165 = arith.constant 64 : index
        %swap3A_166 = tpu.vector_load %arg10[%swap3A_164, %swap3A_165] {strides = array<i32>} : memref<2x128xi32, #tpu.memory_space<vmem>>, vector<1x16xi32>,
        %swap3A_167 = vector.shape_cast %swap3A_166 : vector<1x16xi32> to vector<16xi32>
        %swap3A_168 = vector.shape_cast %add3A_162 : vector<16xi32> to vector<1x16xi32>
        tpu.vector_store %arg10[%swap3A_164, %swap3A_165], %swap3A_168 {strides = array<i32>} : memref<2x128xi32, #tpu.memory_space<vmem>>, vector<1x16xi32>,
        %add3A_169 = arith.constant 8 : i32
        %add3A_170 = vector.broadcast %add3A_169 : i32 to vector<16xi32>
        %add3A_171 = arith.addi %get3A_158, %add3A_170 : vector<16xi32>
        %mul3A_172 = arith.constant 10000 : i32
        %mul3A_173 = vector.broadcast %mul3A_172 : i32 to vector<16xi32>
        %mul3A_174 = arith.muli %add3A_171, %mul3A_173 : vector<16xi32>
        %add3A_175 = arith.addi %mul3A_174, %get3A_155 : vector<16xi32>
        %swap3A_176 = arith.constant 0 : i32
        %swap3A_177 = arith.index_cast %swap3A_176 : i32 to index
        %swap3A_178 = arith.constant 64 : index
        %swap3A_179 = tpu.vector_load %arg11[%swap3A_177, %swap3A_178] {strides = array<i32>} : memref<2x128xi32, #tpu.memory_space<vmem>>, vector<1x16xi32>,
        %swap3A_180 = vector.shape_cast %swap3A_179 : vector<1x16xi32> to vector<16xi32>
        %swap3A_181 = vector.shape_cast %add3A_175 : vector<16xi32> to vector<1x16xi32>
        tpu.vector_store %arg11[%swap3A_177, %swap3A_178], %swap3A_181 {strides = array<i32>} : memref<2x128xi32, #tpu.memory_space<vmem>>, vector<1x16xi32>,
        %get3A_182 = arith.constant 80 : index
        %get3A_183 = tpu.vector_load %arg7[%get3A_182] {strides = array<i32>} : memref<256xi32, #tpu.memory_space<vmem>>, vector<16xi32>,
        %get3A_184 = vector.shape_cast %get3A_183 : vector<16xi32> to vector<16xi32>
        %get3A_185 = arith.constant 80 : index
        %get3A_186 = tpu.vector_load %arg8[%get3A_185] {strides = array<i32>} : memref<256xi32, #tpu.memory_space<vmem>>, vector<16xi32>,
        %get3A_187 = vector.shape_cast %get3A_186 : vector<16xi32> to vector<16xi32>
        %get3A_188 = arith.constant 80 : index
        %get3A_189 = tpu.vector_load %arg9[%get3A_188] {strides = array<i32>} : memref<256xi32, #tpu.memory_space<vmem>>, vector<16xi32>,
        %get3A_190 = vector.shape_cast %get3A_189 : vector<16xi32> to vector<16xi32>
        %mul3A_191 = arith.constant 10000 : i32
        %mul3A_192 = vector.broadcast %mul3A_191 : i32 to vector<16xi32>
        %mul3A_193 = arith.muli %get3A_190, %mul3A_192 : vector<16xi32>
        %add3A_194 = arith.addi %mul3A_193, %get3A_184 : vector<16xi32>
        %swap3A_195 = arith.constant 0 : i32
        %swap3A_196 = arith.index_cast %swap3A_195 : i32 to index
        %swap3A_197 = arith.constant 80 : index
        %swap3A_198 = tpu.vector_load %arg10[%swap3A_196, %swap3A_197] {strides = array<i32>} : memref<2x128xi32, #tpu.memory_space<vmem>>, vector<1x16xi32>,
        %swap3A_199 = vector.shape_cast %swap3A_198 : vector<1x16xi32> to vector<16xi32>
        %swap3A_200 = vector.shape_cast %add3A_194 : vector<16xi32> to vector<1x16xi32>
        tpu.vector_store %arg10[%swap3A_196, %swap3A_197], %swap3A_200 {strides = array<i32>} : memref<2x128xi32, #tpu.memory_space<vmem>>, vector<1x16xi32>,
        %add3A_201 = arith.constant 8 : i32
        %add3A_202 = vector.broadcast %add3A_201 : i32 to vector<16xi32>
        %add3A_203 = arith.addi %get3A_190, %add3A_202 : vector<16xi32>
        %mul3A_204 = arith.constant 10000 : i32
        %mul3A_205 = vector.broadcast %mul3A_204 : i32 to vector<16xi32>
        %mul3A_206 = arith.muli %add3A_203, %mul3A_205 : vector<16xi32>
        %add3A_207 = arith.addi %mul3A_206, %get3A_187 : vector<16xi32>
        %swap3A_208 = arith.constant 0 : i32
        %swap3A_209 = arith.index_cast %swap3A_208 : i32 to index
        %swap3A_210 = arith.constant 80 : index
        %swap3A_211 = tpu.vector_load %arg11[%swap3A_209, %swap3A_210] {strides = array<i32>} : memref<2x128xi32, #tpu.memory_space<vmem>>, vector<1x16xi32>,
        %swap3A_212 = vector.shape_cast %swap3A_211 : vector<1x16xi32> to vector<16xi32>
        %swap3A_213 = vector.shape_cast %add3A_207 : vector<16xi32> to vector<1x16xi32>
        tpu.vector_store %arg11[%swap3A_209, %swap3A_210], %swap3A_213 {strides = array<i32>} : memref<2x128xi32, #tpu.memory_space<vmem>>, vector<1x16xi32>,
        %get3A_214 = arith.constant 96 : index
        %get3A_215 = tpu.vector_load %arg7[%get3A_214] {strides = array<i32>} : memref<256xi32, #tpu.memory_space<vmem>>, vector<16xi32>,
        %get3A_216 = vector.shape_cast %get3A_215 : vector<16xi32> to vector<16xi32>
        %get3A_217 = arith.constant 96 : index
        %get3A_218 = tpu.vector_load %arg8[%get3A_217] {strides = array<i32>} : memref<256xi32, #tpu.memory_space<vmem>>, vector<16xi32>,
        %get3A_219 = vector.shape_cast %get3A_218 : vector<16xi32> to vector<16xi32>
        %get3A_220 = arith.constant 96 : index
        %get3A_221 = tpu.vector_load %arg9[%get3A_220] {strides = array<i32>} : memref<256xi32, #tpu.memory_space<vmem>>, vector<16xi32>,
        %get3A_222 = vector.shape_cast %get3A_221 : vector<16xi32> to vector<16xi32>
        %mul3A_223 = arith.constant 10000 : i32
        %mul3A_224 = vector.broadcast %mul3A_223 : i32 to vector<16xi32>
        %mul3A_225 = arith.muli %get3A_222, %mul3A_224 : vector<16xi32>
        %add3A_226 = arith.addi %mul3A_225, %get3A_216 : vector<16xi32>
        %swap3A_227 = arith.constant 0 : i32
        %swap3A_228 = arith.index_cast %swap3A_227 : i32 to index
        %swap3A_229 = arith.constant 96 : index
        %swap3A_230 = tpu.vector_load %arg10[%swap3A_228, %swap3A_229] {strides = array<i32>} : memref<2x128xi32, #tpu.memory_space<vmem>>, vector<1x16xi32>,
        %swap3A_231 = vector.shape_cast %swap3A_230 : vector<1x16xi32> to vector<16xi32>
        %swap3A_232 = vector.shape_cast %add3A_226 : vector<16xi32> to vector<1x16xi32>
        tpu.vector_store %arg10[%swap3A_228, %swap3A_229], %swap3A_232 {strides = array<i32>} : memref<2x128xi32, #tpu.memory_space<vmem>>, vector<1x16xi32>,
        %add3A_233 = arith.constant 8 : i32
        %add3A_234 = vector.broadcast %add3A_233 : i32 to vector<16xi32>
        %add3A_235 = arith.addi %get3A_222, %add3A_234 : vector<16xi32>
        %mul3A_236 = arith.constant 10000 : i32
        %mul3A_237 = vector.broadcast %mul3A_236 : i32 to vector<16xi32>
        %mul3A_238 = arith.muli %add3A_235, %mul3A_237 : vector<16xi32>
        %add3A_239 = arith.addi %mul3A_238, %get3A_219 : vector<16xi32>
        %swap3A_240 = arith.constant 0 : i32
        %swap3A_241 = arith.index_cast %swap3A_240 : i32 to index
        %swap3A_242 = arith.constant 96 : index
        %swap3A_243 = tpu.vector_load %arg11[%swap3A_241, %swap3A_242] {strides = array<i32>} : memref<2x128xi32, #tpu.memory_space<vmem>>, vector<1x16xi32>,
        %swap3A_244 = vector.shape_cast %swap3A_243 : vector<1x16xi32> to vector<16xi32>
        %swap3A_245 = vector.shape_cast %add3A_239 : vector<16xi32> to vector<1x16xi32>
        tpu.vector_store %arg11[%swap3A_241, %swap3A_242], %swap3A_245 {strides = array<i32>} : memref<2x128xi32, #tpu.memory_space<vmem>>, vector<1x16xi32>,
        %get3A_246 = arith.constant 112 : index
        %get3A_247 = tpu.vector_load %arg7[%get3A_246] {strides = array<i32>} : memref<256xi32, #tpu.memory_space<vmem>>, vector<16xi32>,
        %get3A_248 = vector.shape_cast %get3A_247 : vector<16xi32> to vector<16xi32>
        %get3A_249 = arith.constant 112 : index
        %get3A_250 = tpu.vector_load %arg8[%get3A_249] {strides = array<i32>} : memref<256xi32, #tpu.memory_space<vmem>>, vector<16xi32>,
        %get3A_251 = vector.shape_cast %get3A_250 : vector<16xi32> to vector<16xi32>
        %get3A_252 = arith.constant 112 : index
        %get3A_253 = tpu.vector_load %arg9[%get3A_252] {strides = array<i32>} : memref<256xi32, #tpu.memory_space<vmem>>, vector<16xi32>,
        %get3A_254 = vector.shape_cast %get3A_253 : vector<16xi32> to vector<16xi32>
        %mul3A_255 = arith.constant 10000 : i32
        %mul3A_256 = vector.broadcast %mul3A_255 : i32 to vector<16xi32>
        %mul3A_257 = arith.muli %get3A_254, %mul3A_256 : vector<16xi32>
        %add3A_258 = arith.addi %mul3A_257, %get3A_248 : vector<16xi32>
        %swap3A_259 = arith.constant 0 : i32
        %swap3A_260 = arith.index_cast %swap3A_259 : i32 to index
        %swap3A_261 = arith.constant 112 : index
        %swap3A_262 = tpu.vector_load %arg10[%swap3A_260, %swap3A_261] {strides = array<i32>} : memref<2x128xi32, #tpu.memory_space<vmem>>, vector<1x16xi32>,
        %swap3A_263 = vector.shape_cast %swap3A_262 : vector<1x16xi32> to vector<16xi32>
        %swap3A_264 = vector.shape_cast %add3A_258 : vector<16xi32> to vector<1x16xi32>
        tpu.vector_store %arg10[%swap3A_260, %swap3A_261], %swap3A_264 {strides = array<i32>} : memref<2x128xi32, #tpu.memory_space<vmem>>, vector<1x16xi32>,
        %add3A_265 = arith.constant 8 : i32
        %add3A_266 = vector.broadcast %add3A_265 : i32 to vector<16xi32>
        %add3A_267 = arith.addi %get3A_254, %add3A_266 : vector<16xi32>
        %mul3A_268 = arith.constant 10000 : i32
        %mul3A_269 = vector.broadcast %mul3A_268 : i32 to vector<16xi32>
        %mul3A_270 = arith.muli %add3A_267, %mul3A_269 : vector<16xi32>
        %add3A_271 = arith.addi %mul3A_270, %get3A_251 : vector<16xi32>
        %swap3A_272 = arith.constant 0 : i32
        %swap3A_273 = arith.index_cast %swap3A_272 : i32 to index
        %swap3A_274 = arith.constant 112 : index
        %swap3A_275 = tpu.vector_load %arg11[%swap3A_273, %swap3A_274] {strides = array<i32>} : memref<2x128xi32, #tpu.memory_space<vmem>>, vector<1x16xi32>,
        %swap3A_276 = vector.shape_cast %swap3A_275 : vector<1x16xi32> to vector<16xi32>
        %swap3A_277 = vector.shape_cast %add3A_271 : vector<16xi32> to vector<1x16xi32>
        tpu.vector_store %arg11[%swap3A_273, %swap3A_274], %swap3A_277 {strides = array<i32>} : memref<2x128xi32, #tpu.memory_space<vmem>>, vector<1x16xi32>,
        %get3A_278 = arith.constant 128 : index
        %get3A_279 = tpu.vector_load %arg7[%get3A_278] {strides = array<i32>} : memref<256xi32, #tpu.memory_space<vmem>>, vector<16xi32>,
        %get3A_280 = vector.shape_cast %get3A_279 : vector<16xi32> to vector<16xi32>
        %get3A_281 = arith.constant 128 : index
        %get3A_282 = tpu.vector_load %arg8[%get3A_281] {strides = array<i32>} : memref<256xi32, #tpu.memory_space<vmem>>, vector<16xi32>,
        %get3A_283 = vector.shape_cast %get3A_282 : vector<16xi32> to vector<16xi32>
        %get3A_284 = arith.constant 128 : index
        %get3A_285 = tpu.vector_load %arg9[%get3A_284] {strides = array<i32>} : memref<256xi32, #tpu.memory_space<vmem>>, vector<16xi32>,
        %get3A_286 = vector.shape_cast %get3A_285 : vector<16xi32> to vector<16xi32>
        %mul3A_287 = arith.constant 10000 : i32
        %mul3A_288 = vector.broadcast %mul3A_287 : i32 to vector<16xi32>
        %mul3A_289 = arith.muli %get3A_286, %mul3A_288 : vector<16xi32>
        %add3A_290 = arith.addi %mul3A_289, %get3A_280 : vector<16xi32>
        %swap3A_291 = arith.constant 1 : i32
        %swap3A_292 = arith.index_cast %swap3A_291 : i32 to index
        %swap3A_293 = arith.constant 0 : index
        %swap3A_294 = tpu.vector_load %arg10[%swap3A_292, %swap3A_293] {strides = array<i32>} : memref<2x128xi32, #tpu.memory_space<vmem>>, vector<1x16xi32>,
        %swap3A_295 = vector.shape_cast %swap3A_294 : vector<1x16xi32> to vector<16xi32>
        %swap3A_296 = vector.shape_cast %add3A_290 : vector<16xi32> to vector<1x16xi32>
        tpu.vector_store %arg10[%swap3A_292, %swap3A_293], %swap3A_296 {strides = array<i32>} : memref<2x128xi32, #tpu.memory_space<vmem>>, vector<1x16xi32>,
        %add3A_297 = arith.constant 8 : i32
        %add3A_298 = vector.broadcast %add3A_297 : i32 to vector<16xi32>
        %add3A_299 = arith.addi %get3A_286, %add3A_298 : vector<16xi32>
        %mul3A_300 = arith.constant 10000 : i32
        %mul3A_301 = vector.broadcast %mul3A_300 : i32 to vector<16xi32>
        %mul3A_302 = arith.muli %add3A_299, %mul3A_301 : vector<16xi32>
        %add3A_303 = arith.addi %mul3A_302, %get3A_283 : vector<16xi32>
        %swap3A_304 = arith.constant 1 : i32
        %swap3A_305 = arith.index_cast %swap3A_304 : i32 to index
        %swap3A_306 = arith.constant 0 : index
        %swap3A_307 = tpu.vector_load %arg11[%swap3A_305, %swap3A_306] {strides = array<i32>} : memref<2x128xi32, #tpu.memory_space<vmem>>, vector<1x16xi32>,
        %swap3A_308 = vector.shape_cast %swap3A_307 : vector<1x16xi32> to vector<16xi32>
        %swap3A_309 = vector.shape_cast %add3A_303 : vector<16xi32> to vector<1x16xi32>
        tpu.vector_store %arg11[%swap3A_305, %swap3A_306], %swap3A_309 {strides = array<i32>} : memref<2x128xi32, #tpu.memory_space<vmem>>, vector<1x16xi32>,
        %get3A_310 = arith.constant 144 : index
        %get3A_311 = tpu.vector_load %arg7[%get3A_310] {strides = array<i32>} : memref<256xi32, #tpu.memory_space<vmem>>, vector<16xi32>,
        %get3A_312 = vector.shape_cast %get3A_311 : vector<16xi32> to vector<16xi32>
        %get3A_313 = arith.constant 144 : index
        %get3A_314 = tpu.vector_load %arg8[%get3A_313] {strides = array<i32>} : memref<256xi32, #tpu.memory_space<vmem>>, vector<16xi32>,
        %get3A_315 = vector.shape_cast %get3A_314 : vector<16xi32> to vector<16xi32>
        %get3A_316 = arith.constant 144 : index
        %get3A_317 = tpu.vector_load %arg9[%get3A_316] {strides = array<i32>} : memref<256xi32, #tpu.memory_space<vmem>>, vector<16xi32>,
        %get3A_318 = vector.shape_cast %get3A_317 : vector<16xi32> to vector<16xi32>
        %mul3A_319 = arith.constant 10000 : i32
        %mul3A_320 = vector.broadcast %mul3A_319 : i32 to vector<16xi32>
        %mul3A_321 = arith.muli %get3A_318, %mul3A_320 : vector<16xi32>
        %add3A_322 = arith.addi %mul3A_321, %get3A_312 : vector<16xi32>
        %swap3A_323 = arith.constant 1 : i32
        %swap3A_324 = arith.index_cast %swap3A_323 : i32 to index
        %swap3A_325 = arith.constant 16 : index
        %swap3A_326 = tpu.vector_load %arg10[%swap3A_324, %swap3A_325] {strides = array<i32>} : memref<2x128xi32, #tpu.memory_space<vmem>>, vector<1x16xi32>,
        %swap3A_327 = vector.shape_cast %swap3A_326 : vector<1x16xi32> to vector<16xi32>
        %swap3A_328 = vector.shape_cast %add3A_322 : vector<16xi32> to vector<1x16xi32>
        tpu.vector_store %arg10[%swap3A_324, %swap3A_325], %swap3A_328 {strides = array<i32>} : memref<2x128xi32, #tpu.memory_space<vmem>>, vector<1x16xi32>,
        %add3A_329 = arith.constant 8 : i32
        %add3A_330 = vector.broadcast %add3A_329 : i32 to vector<16xi32>
        %add3A_331 = arith.addi %get3A_318, %add3A_330 : vector<16xi32>
        %mul3A_332 = arith.constant 10000 : i32
        %mul3A_333 = vector.broadcast %mul3A_332 : i32 to vector<16xi32>
        %mul3A_334 = arith.muli %add3A_331, %mul3A_333 : vector<16xi32>
        %add3A_335 = arith.addi %mul3A_334, %get3A_315 : vector<16xi32>
        %swap3A_336 = arith.constant 1 : i32
        %swap3A_337 = arith.index_cast %swap3A_336 : i32 to index
        %swap3A_338 = arith.constant 16 : index
        %swap3A_339 = tpu.vector_load %arg11[%swap3A_337, %swap3A_338] {strides = array<i32>} : memref<2x128xi32, #tpu.memory_space<vmem>>, vector<1x16xi32>,
        %swap3A_340 = vector.shape_cast %swap3A_339 : vector<1x16xi32> to vector<16xi32>
        %swap3A_341 = vector.shape_cast %add3A_335 : vector<16xi32> to vector<1x16xi32>
        tpu.vector_store %arg11[%swap3A_337, %swap3A_338], %swap3A_341 {strides = array<i32>} : memref<2x128xi32, #tpu.memory_space<vmem>>, vector<1x16xi32>,
        %get3A_342 = arith.constant 160 : index
        %get3A_343 = tpu.vector_load %arg7[%get3A_342] {strides = array<i32>} : memref<256xi32, #tpu.memory_space<vmem>>, vector<16xi32>,
        %get3A_344 = vector.shape_cast %get3A_343 : vector<16xi32> to vector<16xi32>
        %get3A_345 = arith.constant 160 : index
        %get3A_346 = tpu.vector_load %arg8[%get3A_345] {strides = array<i32>} : memref<256xi32, #tpu.memory_space<vmem>>, vector<16xi32>,
        %get3A_347 = vector.shape_cast %get3A_346 : vector<16xi32> to vector<16xi32>
        %get3A_348 = arith.constant 160 : index
        %get3A_349 = tpu.vector_load %arg9[%get3A_348] {strides = array<i32>} : memref<256xi32, #tpu.memory_space<vmem>>, vector<16xi32>,
        %get3A_350 = vector.shape_cast %get3A_349 : vector<16xi32> to vector<16xi32>
        %mul3A_351 = arith.constant 10000 : i32
        %mul3A_352 = vector.broadcast %mul3A_351 : i32 to vector<16xi32>
        %mul3A_353 = arith.muli %get3A_350, %mul3A_352 : vector<16xi32>
        %add3A_354 = arith.addi %mul3A_353, %get3A_344 : vector<16xi32>
        %swap3A_355 = arith.constant 1 : i32
        %swap3A_356 = arith.index_cast %swap3A_355 : i32 to index
        %swap3A_357 = arith.constant 32 : index
        %swap3A_358 = tpu.vector_load %arg10[%swap3A_356, %swap3A_357] {strides = array<i32>} : memref<2x128xi32, #tpu.memory_space<vmem>>, vector<1x16xi32>,
        %swap3A_359 = vector.shape_cast %swap3A_358 : vector<1x16xi32> to vector<16xi32>
        %swap3A_360 = vector.shape_cast %add3A_354 : vector<16xi32> to vector<1x16xi32>
        tpu.vector_store %arg10[%swap3A_356, %swap3A_357], %swap3A_360 {strides = array<i32>} : memref<2x128xi32, #tpu.memory_space<vmem>>, vector<1x16xi32>,
        %add3A_361 = arith.constant 8 : i32
        %add3A_362 = vector.broadcast %add3A_361 : i32 to vector<16xi32>
        %add3A_363 = arith.addi %get3A_350, %add3A_362 : vector<16xi32>
        %mul3A_364 = arith.constant 10000 : i32
        %mul3A_365 = vector.broadcast %mul3A_364 : i32 to vector<16xi32>
        %mul3A_366 = arith.muli %add3A_363, %mul3A_365 : vector<16xi32>
        %add3A_367 = arith.addi %mul3A_366, %get3A_347 : vector<16xi32>
        %swap3A_368 = arith.constant 1 : i32
        %swap3A_369 = arith.index_cast %swap3A_368 : i32 to index
        %swap3A_370 = arith.constant 32 : index
        %swap3A_371 = tpu.vector_load %arg11[%swap3A_369, %swap3A_370] {strides = array<i32>} : memref<2x128xi32, #tpu.memory_space<vmem>>, vector<1x16xi32>,
        %swap3A_372 = vector.shape_cast %swap3A_371 : vector<1x16xi32> to vector<16xi32>
        %swap3A_373 = vector.shape_cast %add3A_367 : vector<16xi32> to vector<1x16xi32>
        tpu.vector_store %arg11[%swap3A_369, %swap3A_370], %swap3A_373 {strides = array<i32>} : memref<2x128xi32, #tpu.memory_space<vmem>>, vector<1x16xi32>,
        %get3A_374 = arith.constant 176 : index
        %get3A_375 = tpu.vector_load %arg7[%get3A_374] {strides = array<i32>} : memref<256xi32, #tpu.memory_space<vmem>>, vector<16xi32>,
        %get3A_376 = vector.shape_cast %get3A_375 : vector<16xi32> to vector<16xi32>
        %get3A_377 = arith.constant 176 : index
        %get3A_378 = tpu.vector_load %arg8[%get3A_377] {strides = array<i32>} : memref<256xi32, #tpu.memory_space<vmem>>, vector<16xi32>,
        %get3A_379 = vector.shape_cast %get3A_378 : vector<16xi32> to vector<16xi32>
        %get3A_380 = arith.constant 176 : index
        %get3A_381 = tpu.vector_load %arg9[%get3A_380] {strides = array<i32>} : memref<256xi32, #tpu.memory_space<vmem>>, vector<16xi32>,
        %get3A_382 = vector.shape_cast %get3A_381 : vector<16xi32> to vector<16xi32>
        %mul3A_383 = arith.constant 10000 : i32
        %mul3A_384 = vector.broadcast %mul3A_383 : i32 to vector<16xi32>
        %mul3A_385 = arith.muli %get3A_382, %mul3A_384 : vector<16xi32>
        %add3A_386 = arith.addi %mul3A_385, %get3A_376 : vector<16xi32>
        %swap3A_387 = arith.constant 1 : i32
        %swap3A_388 = arith.index_cast %swap3A_387 : i32 to index
        %swap3A_389 = arith.constant 48 : index
        %swap3A_390 = tpu.vector_load %arg10[%swap3A_388, %swap3A_389] {strides = array<i32>} : memref<2x128xi32, #tpu.memory_space<vmem>>, vector<1x16xi32>,
        %swap3A_391 = vector.shape_cast %swap3A_390 : vector<1x16xi32> to vector<16xi32>
        %swap3A_392 = vector.shape_cast %add3A_386 : vector<16xi32> to vector<1x16xi32>
        tpu.vector_store %arg10[%swap3A_388, %swap3A_389], %swap3A_392 {strides = array<i32>} : memref<2x128xi32, #tpu.memory_space<vmem>>, vector<1x16xi32>,
        %add3A_393 = arith.constant 8 : i32
        %add3A_394 = vector.broadcast %add3A_393 : i32 to vector<16xi32>
        %add3A_395 = arith.addi %get3A_382, %add3A_394 : vector<16xi32>
        %mul3A_396 = arith.constant 10000 : i32
        %mul3A_397 = vector.broadcast %mul3A_396 : i32 to vector<16xi32>
        %mul3A_398 = arith.muli %add3A_395, %mul3A_397 : vector<16xi32>
        %add3A_399 = arith.addi %mul3A_398, %get3A_379 : vector<16xi32>
        %swap3A_400 = arith.constant 1 : i32
        %swap3A_401 = arith.index_cast %swap3A_400 : i32 to index
        %swap3A_402 = arith.constant 48 : index
        %swap3A_403 = tpu.vector_load %arg11[%swap3A_401, %swap3A_402] {strides = array<i32>} : memref<2x128xi32, #tpu.memory_space<vmem>>, vector<1x16xi32>,
        %swap3A_404 = vector.shape_cast %swap3A_403 : vector<1x16xi32> to vector<16xi32>
        %swap3A_405 = vector.shape_cast %add3A_399 : vector<16xi32> to vector<1x16xi32>
        tpu.vector_store %arg11[%swap3A_401, %swap3A_402], %swap3A_405 {strides = array<i32>} : memref<2x128xi32, #tpu.memory_space<vmem>>, vector<1x16xi32>,
        %get3A_406 = arith.constant 192 : index
        %get3A_407 = tpu.vector_load %arg7[%get3A_406] {strides = array<i32>} : memref<256xi32, #tpu.memory_space<vmem>>, vector<16xi32>,
        %get3A_408 = vector.shape_cast %get3A_407 : vector<16xi32> to vector<16xi32>
        %get3A_409 = arith.constant 192 : index
        %get3A_410 = tpu.vector_load %arg8[%get3A_409] {strides = array<i32>} : memref<256xi32, #tpu.memory_space<vmem>>, vector<16xi32>,
        %get3A_411 = vector.shape_cast %get3A_410 : vector<16xi32> to vector<16xi32>
        %get3A_412 = arith.constant 192 : index
        %get3A_413 = tpu.vector_load %arg9[%get3A_412] {strides = array<i32>} : memref<256xi32, #tpu.memory_space<vmem>>, vector<16xi32>,
        %get3A_414 = vector.shape_cast %get3A_413 : vector<16xi32> to vector<16xi32>
        %mul3A_415 = arith.constant 10000 : i32
        %mul3A_416 = vector.broadcast %mul3A_415 : i32 to vector<16xi32>
        %mul3A_417 = arith.muli %get3A_414, %mul3A_416 : vector<16xi32>
        %add3A_418 = arith.addi %mul3A_417, %get3A_408 : vector<16xi32>
        %swap3A_419 = arith.constant 1 : i32
        %swap3A_420 = arith.index_cast %swap3A_419 : i32 to index
        %swap3A_421 = arith.constant 64 : index
        %swap3A_422 = tpu.vector_load %arg10[%swap3A_420, %swap3A_421] {strides = array<i32>} : memref<2x128xi32, #tpu.memory_space<vmem>>, vector<1x16xi32>,
        %swap3A_423 = vector.shape_cast %swap3A_422 : vector<1x16xi32> to vector<16xi32>
        %swap3A_424 = vector.shape_cast %add3A_418 : vector<16xi32> to vector<1x16xi32>
        tpu.vector_store %arg10[%swap3A_420, %swap3A_421], %swap3A_424 {strides = array<i32>} : memref<2x128xi32, #tpu.memory_space<vmem>>, vector<1x16xi32>,
        %add3A_425 = arith.constant 8 : i32
        %add3A_426 = vector.broadcast %add3A_425 : i32 to vector<16xi32>
        %add3A_427 = arith.addi %get3A_414, %add3A_426 : vector<16xi32>
        %mul3A_428 = arith.constant 10000 : i32
        %mul3A_429 = vector.broadcast %mul3A_428 : i32 to vector<16xi32>
        %mul3A_430 = arith.muli %add3A_427, %mul3A_429 : vector<16xi32>
        %add3A_431 = arith.addi %mul3A_430, %get3A_411 : vector<16xi32>
        %swap3A_432 = arith.constant 1 : i32
        %swap3A_433 = arith.index_cast %swap3A_432 : i32 to index
        %swap3A_434 = arith.constant 64 : index
        %swap3A_435 = tpu.vector_load %arg11[%swap3A_433, %swap3A_434] {strides = array<i32>} : memref<2x128xi32, #tpu.memory_space<vmem>>, vector<1x16xi32>,
        %swap3A_436 = vector.shape_cast %swap3A_435 : vector<1x16xi32> to vector<16xi32>
        %swap3A_437 = vector.shape_cast %add3A_431 : vector<16xi32> to vector<1x16xi32>
        tpu.vector_store %arg11[%swap3A_433, %swap3A_434], %swap3A_437 {strides = array<i32>} : memref<2x128xi32, #tpu.memory_space<vmem>>, vector<1x16xi32>,
        %get3A_438 = arith.constant 208 : index
        %get3A_439 = tpu.vector_load %arg7[%get3A_438] {strides = array<i32>} : memref<256xi32, #tpu.memory_space<vmem>>, vector<16xi32>,
        %get3A_440 = vector.shape_cast %get3A_439 : vector<16xi32> to vector<16xi32>
        %get3A_441 = arith.constant 208 : index
        %get3A_442 = tpu.vector_load %arg8[%get3A_441] {strides = array<i32>} : memref<256xi32, #tpu.memory_space<vmem>>, vector<16xi32>,
        %get3A_443 = vector.shape_cast %get3A_442 : vector<16xi32> to vector<16xi32>
        %get3A_444 = arith.constant 208 : index
        %get3A_445 = tpu.vector_load %arg9[%get3A_444] {strides = array<i32>} : memref<256xi32, #tpu.memory_space<vmem>>, vector<16xi32>,
        %get3A_446 = vector.shape_cast %get3A_445 : vector<16xi32> to vector<16xi32>
        %mul3A_447 = arith.constant 10000 : i32
        %mul3A_448 = vector.broadcast %mul3A_447 : i32 to vector<16xi32>
        %mul3A_449 = arith.muli %get3A_446, %mul3A_448 : vector<16xi32>
        %add3A_450 = arith.addi %mul3A_449, %get3A_440 : vector<16xi32>
        %swap3A_451 = arith.constant 1 : i32
        %swap3A_452 = arith.index_cast %swap3A_451 : i32 to index
        %swap3A_453 = arith.constant 80 : index
        %swap3A_454 = tpu.vector_load %arg10[%swap3A_452, %swap3A_453] {strides = array<i32>} : memref<2x128xi32, #tpu.memory_space<vmem>>, vector<1x16xi32>,
        %swap3A_455 = vector.shape_cast %swap3A_454 : vector<1x16xi32> to vector<16xi32>
        %swap3A_456 = vector.shape_cast %add3A_450 : vector<16xi32> to vector<1x16xi32>
        tpu.vector_store %arg10[%swap3A_452, %swap3A_453], %swap3A_456 {strides = array<i32>} : memref<2x128xi32, #tpu.memory_space<vmem>>, vector<1x16xi32>,
        %add3A_457 = arith.constant 8 : i32
        %add3A_458 = vector.broadcast %add3A_457 : i32 to vector<16xi32>
        %add3A_459 = arith.addi %get3A_446, %add3A_458 : vector<16xi32>
        %mul3A_460 = arith.constant 10000 : i32
        %mul3A_461 = vector.broadcast %mul3A_460 : i32 to vector<16xi32>
        %mul3A_462 = arith.muli %add3A_459, %mul3A_461 : vector<16xi32>
        %add3A_463 = arith.addi %mul3A_462, %get3A_443 : vector<16xi32>
        %swap3A_464 = arith.constant 1 : i32
        %swap3A_465 = arith.index_cast %swap3A_464 : i32 to index
        %swap3A_466 = arith.constant 80 : index
        %swap3A_467 = tpu.vector_load %arg11[%swap3A_465, %swap3A_466] {strides = array<i32>} : memref<2x128xi32, #tpu.memory_space<vmem>>, vector<1x16xi32>,
        %swap3A_468 = vector.shape_cast %swap3A_467 : vector<1x16xi32> to vector<16xi32>
        %swap3A_469 = vector.shape_cast %add3A_463 : vector<16xi32> to vector<1x16xi32>
        tpu.vector_store %arg11[%swap3A_465, %swap3A_466], %swap3A_469 {strides = array<i32>} : memref<2x128xi32, #tpu.memory_space<vmem>>, vector<1x16xi32>,
        %get3A_470 = arith.constant 224 : index
        %get3A_471 = tpu.vector_load %arg7[%get3A_470] {strides = array<i32>} : memref<256xi32, #tpu.memory_space<vmem>>, vector<16xi32>,
        %get3A_472 = vector.shape_cast %get3A_471 : vector<16xi32> to vector<16xi32>
        %get3A_473 = arith.constant 224 : index
        %get3A_474 = tpu.vector_load %arg8[%get3A_473] {strides = array<i32>} : memref<256xi32, #tpu.memory_space<vmem>>, vector<16xi32>,
        %get3A_475 = vector.shape_cast %get3A_474 : vector<16xi32> to vector<16xi32>
        %get3A_476 = arith.constant 224 : index
        %get3A_477 = tpu.vector_load %arg9[%get3A_476] {strides = array<i32>} : memref<256xi32, #tpu.memory_space<vmem>>, vector<16xi32>,
        %get3A_478 = vector.shape_cast %get3A_477 : vector<16xi32> to vector<16xi32>
        %mul3A_479 = arith.constant 10000 : i32
        %mul3A_480 = vector.broadcast %mul3A_479 : i32 to vector<16xi32>
        %mul3A_481 = arith.muli %get3A_478, %mul3A_480 : vector<16xi32>
        %add3A_482 = arith.addi %mul3A_481, %get3A_472 : vector<16xi32>
        %swap3A_483 = arith.constant 1 : i32
        %swap3A_484 = arith.index_cast %swap3A_483 : i32 to index
        %swap3A_485 = arith.constant 96 : index
        %swap3A_486 = tpu.vector_load %arg10[%swap3A_484, %swap3A_485] {strides = array<i32>} : memref<2x128xi32, #tpu.memory_space<vmem>>, vector<1x16xi32>,
        %swap3A_487 = vector.shape_cast %swap3A_486 : vector<1x16xi32> to vector<16xi32>
        %swap3A_488 = vector.shape_cast %add3A_482 : vector<16xi32> to vector<1x16xi32>
        tpu.vector_store %arg10[%swap3A_484, %swap3A_485], %swap3A_488 {strides = array<i32>} : memref<2x128xi32, #tpu.memory_space<vmem>>, vector<1x16xi32>,
        %add3A_489 = arith.constant 8 : i32
        %add3A_490 = vector.broadcast %add3A_489 : i32 to vector<16xi32>
        %add3A_491 = arith.addi %get3A_478, %add3A_490 : vector<16xi32>
        %mul3A_492 = arith.constant 10000 : i32
        %mul3A_493 = vector.broadcast %mul3A_492 : i32 to vector<16xi32>
        %mul3A_494 = arith.muli %add3A_491, %mul3A_493 : vector<16xi32>
        %add3A_495 = arith.addi %mul3A_494, %get3A_475 : vector<16xi32>
        %swap3A_496 = arith.constant 1 : i32
        %swap3A_497 = arith.index_cast %swap3A_496 : i32 to index
        %swap3A_498 = arith.constant 96 : index
        %swap3A_499 = tpu.vector_load %arg11[%swap3A_497, %swap3A_498] {strides = array<i32>} : memref<2x128xi32, #tpu.memory_space<vmem>>, vector<1x16xi32>,
        %swap3A_500 = vector.shape_cast %swap3A_499 : vector<1x16xi32> to vector<16xi32>
        %swap3A_501 = vector.shape_cast %add3A_495 : vector<16xi32> to vector<1x16xi32>
        tpu.vector_store %arg11[%swap3A_497, %swap3A_498], %swap3A_501 {strides = array<i32>} : memref<2x128xi32, #tpu.memory_space<vmem>>, vector<1x16xi32>,
        %get3A_502 = arith.constant 240 : index
        %get3A_503 = tpu.vector_load %arg7[%get3A_502] {strides = array<i32>} : memref<256xi32, #tpu.memory_space<vmem>>, vector<16xi32>,
        %get3A_504 = vector.shape_cast %get3A_503 : vector<16xi32> to vector<16xi32>
        %get3A_505 = arith.constant 240 : index
        %get3A_506 = tpu.vector_load %arg8[%get3A_505] {strides = array<i32>} : memref<256xi32, #tpu.memory_space<vmem>>, vector<16xi32>,
        %get3A_507 = vector.shape_cast %get3A_506 : vector<16xi32> to vector<16xi32>
        %get3A_508 = arith.constant 240 : index
        %get3A_509 = tpu.vector_load %arg9[%get3A_508] {strides = array<i32>} : memref<256xi32, #tpu.memory_space<vmem>>, vector<16xi32>,
        %get3A_510 = vector.shape_cast %get3A_509 : vector<16xi32> to vector<16xi32>
        %mul3A_511 = arith.constant 10000 : i32
        %mul3A_512 = vector.broadcast %mul3A_511 : i32 to vector<16xi32>
        %mul3A_513 = arith.muli %get3A_510, %mul3A_512 : vector<16xi32>
        %add3A_514 = arith.addi %mul3A_513, %get3A_504 : vector<16xi32>
        %swap3A_515 = arith.constant 1 : i32
        %swap3A_516 = arith.index_cast %swap3A_515 : i32 to index
        %swap3A_517 = arith.constant 112 : index
        %swap3A_518 = tpu.vector_load %arg10[%swap3A_516, %swap3A_517] {strides = array<i32>} : memref<2x128xi32, #tpu.memory_space<vmem>>, vector<1x16xi32>,
        %swap3A_519 = vector.shape_cast %swap3A_518 : vector<1x16xi32> to vector<16xi32>
        %swap3A_520 = vector.shape_cast %add3A_514 : vector<16xi32> to vector<1x16xi32>
        tpu.vector_store %arg10[%swap3A_516, %swap3A_517], %swap3A_520 {strides = array<i32>} : memref<2x128xi32, #tpu.memory_space<vmem>>, vector<1x16xi32>,
        %add3A_521 = arith.constant 8 : i32
        %add3A_522 = vector.broadcast %add3A_521 : i32 to vector<16xi32>
        %add3A_523 = arith.addi %get3A_510, %add3A_522 : vector<16xi32>
        %mul3A_524 = arith.constant 10000 : i32
        %mul3A_525 = vector.broadcast %mul3A_524 : i32 to vector<16xi32>
        %mul3A_526 = arith.muli %add3A_523, %mul3A_525 : vector<16xi32>
        %add3A_527 = arith.addi %mul3A_526, %get3A_507 : vector<16xi32>
        %swap3A_528 = arith.constant 1 : i32
        %swap3A_529 = arith.index_cast %swap3A_528 : i32 to index
        %swap3A_530 = arith.constant 112 : index
        %swap3A_531 = tpu.vector_load %arg11[%swap3A_529, %swap3A_530] {strides = array<i32>} : memref<2x128xi32, #tpu.memory_space<vmem>>, vector<1x16xi32>,
        %swap3A_532 = vector.shape_cast %swap3A_531 : vector<1x16xi32> to vector<16xi32>
        %swap3A_533 = vector.shape_cast %add3A_527 : vector<16xi32> to vector<1x16xi32>
        tpu.vector_store %arg11[%swap3A_529, %swap3A_530], %swap3A_533 {strides = array<i32>} : memref<2x128xi32, #tpu.memory_space<vmem>>, vector<1x16xi32>,
        %dma_start3A = arith.constant 0 : i32
        %dma_start3A_534 = arith.constant 0 : i32
        %dma_start3A_535 = arith.constant 0 : i32
        %dma_start3A_536 = tpu.memref_slice %arg12[%dma_start3A_534, %dma_start3A_535] : memref<256x128xf32, #tpu.memory_space<vmem>> -> memref<128x128xf32, #tpu.memory_space<vmem>>
        %dma_start3A_537 = arith.constant 0 : i32
        %dma_start3A_538 = tpu.memref_slice %arg10[%dma_start3A, %dma_start3A_537] : memref<2x128xi32, #tpu.memory_space<vmem>> -> memref<1x128xi32, #tpu.memory_space<vmem>>
        %dma_start3A_539 = tpu.memref_squeeze %dma_start3A_538 : memref<1x128xi32, #tpu.memory_space<vmem>> -> memref<128xi32, #tpu.memory_space<vmem>>
        %dma_start3A_540 = arith.constant 0 : i32
        %dma_start3A_541 = arith.constant 0 : i32
        %dma_start3A_542 = tpu.memref_slice %arg2[%dma_start3A_540, %dma_start3A_541] : memref<160000x128xf32, #tpu.memory_space<hbm>> -> memref<160000x128xf32, #tpu.memory_space<hbm>>
        tpu.enqueue_indirect_dma source(%dma_start3A_542 : memref<160000x128xf32, #tpu.memory_space<hbm>>) target(%dma_start3A_536 : memref<128x128xf32, #tpu.memory_space<vmem>>) offsets(%dma_start3A_539 : memref<128xi32, #tpu.memory_space<vmem>>) semaphore(%arg14 : memref<!tpu.dma_semaphore, #tpu.memory_space<semaphore_mem>>)
        %dma_start3A_543 = arith.constant 1 : i32
        %dma_start3A_544 = arith.constant 128 : i32
        %dma_start3A_545 = arith.constant 0 : i32
        %dma_start3A_546 = tpu.memref_slice %arg12[%dma_start3A_544, %dma_start3A_545] : memref<256x128xf32, #tpu.memory_space<vmem>> -> memref<128x128xf32, #tpu.memory_space<vmem>>
        %dma_start3A_547 = arith.constant 0 : i32
        %dma_start3A_548 = tpu.memref_slice %arg10[%dma_start3A_543, %dma_start3A_547] : memref<2x128xi32, #tpu.memory_space<vmem>> -> memref<1x128xi32, #tpu.memory_space<vmem>>
        %dma_start3A_549 = tpu.memref_squeeze %dma_start3A_548 : memref<1x128xi32, #tpu.memory_space<vmem>> -> memref<128xi32, #tpu.memory_space<vmem>>
        %dma_start3A_550 = arith.constant 0 : i32
        %dma_start3A_551 = arith.constant 0 : i32
        %dma_start3A_552 = tpu.memref_slice %arg2[%dma_start3A_550, %dma_start3A_551] : memref<160000x128xf32, #tpu.memory_space<hbm>> -> memref<160000x128xf32, #tpu.memory_space<hbm>>
        tpu.enqueue_indirect_dma source(%dma_start3A_552 : memref<160000x128xf32, #tpu.memory_space<hbm>>) target(%dma_start3A_546 : memref<128x128xf32, #tpu.memory_space<vmem>>) offsets(%dma_start3A_549 : memref<128xi32, #tpu.memory_space<vmem>>) semaphore(%arg15 : memref<!tpu.dma_semaphore, #tpu.memory_space<semaphore_mem>>)
        %dma_start3A_553 = arith.constant 0 : i32
        %dma_start3A_554 = arith.constant 0 : i32
        %dma_start3A_555 = arith.constant 0 : i32
        %dma_start3A_556 = tpu.memref_slice %arg13[%dma_start3A_554, %dma_start3A_555] : memref<256x128xf32, #tpu.memory_space<vmem>> -> memref<128x128xf32, #tpu.memory_space<vmem>>
        %dma_start3A_557 = arith.constant 0 : i32
        %dma_start3A_558 = tpu.memref_slice %arg11[%dma_start3A_553, %dma_start3A_557] : memref<2x128xi32, #tpu.memory_space<vmem>> -> memref<1x128xi32, #tpu.memory_space<vmem>>
        %dma_start3A_559 = tpu.memref_squeeze %dma_start3A_558 : memref<1x128xi32, #tpu.memory_space<vmem>> -> memref<128xi32, #tpu.memory_space<vmem>>
        %dma_start3A_560 = arith.constant 0 : i32
        %dma_start3A_561 = arith.constant 0 : i32
        %dma_start3A_562 = tpu.memref_slice %arg2[%dma_start3A_560, %dma_start3A_561] : memref<160000x128xf32, #tpu.memory_space<hbm>> -> memref<160000x128xf32, #tpu.memory_space<hbm>>
        tpu.enqueue_indirect_dma source(%dma_start3A_562 : memref<160000x128xf32, #tpu.memory_space<hbm>>) target(%dma_start3A_556 : memref<128x128xf32, #tpu.memory_space<vmem>>) offsets(%dma_start3A_559 : memref<128xi32, #tpu.memory_space<vmem>>) semaphore(%arg16 : memref<!tpu.dma_semaphore, #tpu.memory_space<semaphore_mem>>)
        %dma_start3A_563 = arith.constant 1 : i32
        %dma_start3A_564 = arith.constant 128 : i32
        %dma_start3A_565 = arith.constant 0 : i32
        %dma_start3A_566 = tpu.memref_slice %arg13[%dma_start3A_564, %dma_start3A_565] : memref<256x128xf32, #tpu.memory_space<vmem>> -> memref<128x128xf32, #tpu.memory_space<vmem>>
        %dma_start3A_567 = arith.constant 0 : i32
        %dma_start3A_568 = tpu.memref_slice %arg11[%dma_start3A_563, %dma_start3A_567] : memref<2x128xi32, #tpu.memory_space<vmem>> -> memref<1x128xi32, #tpu.memory_space<vmem>>
        %dma_start3A_569 = tpu.memref_squeeze %dma_start3A_568 : memref<1x128xi32, #tpu.memory_space<vmem>> -> memref<128xi32, #tpu.memory_space<vmem>>
        %dma_start3A_570 = arith.constant 0 : i32
        %dma_start3A_571 = arith.constant 0 : i32
        %dma_start3A_572 = tpu.memref_slice %arg2[%dma_start3A_570, %dma_start3A_571] : memref<160000x128xf32, #tpu.memory_space<hbm>> -> memref<160000x128xf32, #tpu.memory_space<hbm>>
        tpu.enqueue_indirect_dma source(%dma_start3A_572 : memref<160000x128xf32, #tpu.memory_space<hbm>>) target(%dma_start3A_566 : memref<128x128xf32, #tpu.memory_space<vmem>>) offsets(%dma_start3A_569 : memref<128xi32, #tpu.memory_space<vmem>>) semaphore(%arg17 : memref<!tpu.dma_semaphore, #tpu.memory_space<semaphore_mem>>)
        %dma_wait3A = arith.constant 0 : i32
        %dma_wait3A_573 = arith.constant 0 : i32
        %dma_wait3A_574 = arith.constant 0 : i32
        %dma_wait3A_575 = tpu.memref_slice %arg12[%dma_wait3A_573, %dma_wait3A_574] : memref<256x128xf32, #tpu.memory_space<vmem>> -> memref<128x128xf32, #tpu.memory_space<vmem>>
        %dma_wait3A_576 = arith.constant 0 : i32
        %dma_wait3A_577 = tpu.memref_slice %arg10[%dma_wait3A, %dma_wait3A_576] : memref<2x128xi32, #tpu.memory_space<vmem>> -> memref<1x128xi32, #tpu.memory_space<vmem>>
        %dma_wait3A_578 = tpu.memref_squeeze %dma_wait3A_577 : memref<1x128xi32, #tpu.memory_space<vmem>> -> memref<128xi32, #tpu.memory_space<vmem>>
        %dma_wait3A_579 = arith.constant 0 : i32
        %dma_wait3A_580 = arith.constant 0 : i32
        %dma_wait3A_581 = tpu.memref_slice %arg2[%dma_wait3A_579, %dma_wait3A_580] : memref<160000x128xf32, #tpu.memory_space<hbm>> -> memref<160000x128xf32, #tpu.memory_space<hbm>>
        tpu.wait_indirect_dma semaphore(%arg14 : memref<!tpu.dma_semaphore, #tpu.memory_space<semaphore_mem>>) src(%dma_wait3A_581 : memref<160000x128xf32, #tpu.memory_space<hbm>>) dst(%dma_wait3A_575 : memref<128x128xf32, #tpu.memory_space<vmem>>)
        %dma_wait3A_582 = arith.constant 1 : i32
        %dma_wait3A_583 = arith.constant 128 : i32
        %dma_wait3A_584 = arith.constant 0 : i32
        %dma_wait3A_585 = tpu.memref_slice %arg12[%dma_wait3A_583, %dma_wait3A_584] : memref<256x128xf32, #tpu.memory_space<vmem>> -> memref<128x128xf32, #tpu.memory_space<vmem>>
        %dma_wait3A_586 = arith.constant 0 : i32
        %dma_wait3A_587 = tpu.memref_slice %arg10[%dma_wait3A_582, %dma_wait3A_586] : memref<2x128xi32, #tpu.memory_space<vmem>> -> memref<1x128xi32, #tpu.memory_space<vmem>>
        %dma_wait3A_588 = tpu.memref_squeeze %dma_wait3A_587 : memref<1x128xi32, #tpu.memory_space<vmem>> -> memref<128xi32, #tpu.memory_space<vmem>>
        %dma_wait3A_589 = arith.constant 0 : i32
        %dma_wait3A_590 = arith.constant 0 : i32
        %dma_wait3A_591 = tpu.memref_slice %arg2[%dma_wait3A_589, %dma_wait3A_590] : memref<160000x128xf32, #tpu.memory_space<hbm>> -> memref<160000x128xf32, #tpu.memory_space<hbm>>
        tpu.wait_indirect_dma semaphore(%arg15 : memref<!tpu.dma_semaphore, #tpu.memory_space<semaphore_mem>>) src(%dma_wait3A_591 : memref<160000x128xf32, #tpu.memory_space<hbm>>) dst(%dma_wait3A_585 : memref<128x128xf32, #tpu.memory_space<vmem>>)
        %dma_wait3A_592 = arith.constant 0 : i32
        %dma_wait3A_593 = arith.constant 0 : i32
        %dma_wait3A_594 = arith.constant 0 : i32
        %dma_wait3A_595 = tpu.memref_slice %arg13[%dma_wait3A_593, %dma_wait3A_594] : memref<256x128xf32, #tpu.memory_space<vmem>> -> memref<128x128xf32, #tpu.memory_space<vmem>>
        %dma_wait3A_596 = arith.constant 0 : i32
        %dma_wait3A_597 = tpu.memref_slice %arg11[%dma_wait3A_592, %dma_wait3A_596] : memref<2x128xi32, #tpu.memory_space<vmem>> -> memref<1x128xi32, #tpu.memory_space<vmem>>
        %dma_wait3A_598 = tpu.memref_squeeze %dma_wait3A_597 : memref<1x128xi32, #tpu.memory_space<vmem>> -> memref<128xi32, #tpu.memory_space<vmem>>
        %dma_wait3A_599 = arith.constant 0 : i32
        %dma_wait3A_600 = arith.constant 0 : i32
        %dma_wait3A_601 = tpu.memref_slice %arg2[%dma_wait3A_599, %dma_wait3A_600] : memref<160000x128xf32, #tpu.memory_space<hbm>> -> memref<160000x128xf32, #tpu.memory_space<hbm>>
        tpu.wait_indirect_dma semaphore(%arg16 : memref<!tpu.dma_semaphore, #tpu.memory_space<semaphore_mem>>) src(%dma_wait3A_601 : memref<160000x128xf32, #tpu.memory_space<hbm>>) dst(%dma_wait3A_595 : memref<128x128xf32, #tpu.memory_space<vmem>>)
        %dma_wait3A_602 = arith.constant 1 : i32
        %dma_wait3A_603 = arith.constant 128 : i32
        %dma_wait3A_604 = arith.constant 0 : i32
        %dma_wait3A_605 = tpu.memref_slice %arg13[%dma_wait3A_603, %dma_wait3A_604] : memref<256x128xf32, #tpu.memory_space<vmem>> -> memref<128x128xf32, #tpu.memory_space<vmem>>
        %dma_wait3A_606 = arith.constant 0 : i32
        %dma_wait3A_607 = tpu.memref_slice %arg11[%dma_wait3A_602, %dma_wait3A_606] : memref<2x128xi32, #tpu.memory_space<vmem>> -> memref<1x128xi32, #tpu.memory_space<vmem>>
        %dma_wait3A_608 = tpu.memref_squeeze %dma_wait3A_607 : memref<1x128xi32, #tpu.memory_space<vmem>> -> memref<128xi32, #tpu.memory_space<vmem>>
        %dma_wait3A_609 = arith.constant 0 : i32
        %dma_wait3A_610 = arith.constant 0 : i32
        %dma_wait3A_611 = tpu.memref_slice %arg2[%dma_wait3A_609, %dma_wait3A_610] : memref<160000x128xf32, #tpu.memory_space<hbm>> -> memref<160000x128xf32, #tpu.memory_space<hbm>>
        tpu.wait_indirect_dma semaphore(%arg17 : memref<!tpu.dma_semaphore, #tpu.memory_space<semaphore_mem>>) src(%dma_wait3A_611 : memref<160000x128xf32, #tpu.memory_space<hbm>>) dst(%dma_wait3A_605 : memref<128x128xf32, #tpu.memory_space<vmem>>)
        %scan3A_612 = arith.constant 0 : i32
        %scan3A_613 = arith.constant 0 : i32
        %scan3A_614 = arith.constant 256 : i32
        %scan3A_615 = arith.addi %scan3A_613, %scan3A_614 : i32
        %scan3A_616 = arith.constant 1 : i32
        scf.for %scan3A_618 = %scan3A_613 to %scan3A_615 step %scan3A_616  : i32 {
          %get3A_619 = arith.index_cast %scan3A_618 : i32 to index
          %get3A_620 = arith.constant 0 : index
          %get3A_621 = tpu.vector_load %arg12[%get3A_619, %get3A_620] {strides = array<i32>} : memref<256x128xf32, #tpu.memory_space<vmem>>, vector<1x16xf32>,
          %get3A_622 = vector.shape_cast %get3A_621 : vector<1x16xf32> to vector<16xf32>
          %get3A_623 = arith.index_cast %scan3A_618 : i32 to index
          %get3A_624 = arith.constant 0 : index
          %get3A_625 = tpu.vector_load %arg13[%get3A_623, %get3A_624] {strides = array<i32>} : memref<256x128xf32, #tpu.memory_space<vmem>>, vector<1x16xf32>,
          %get3A_626 = vector.shape_cast %get3A_625 : vector<1x16xf32> to vector<16xf32>
          %add3A_627 = arith.addf %get3A_622, %get3A_626 : vector<16xf32>
          %swap3A_628 = arith.index_cast %scan3A_618 : i32 to index
          %swap3A_629 = arith.constant 0 : index
          %swap3A_630 = tpu.vector_load %arg12[%swap3A_628, %swap3A_629] {strides = array<i32>} : memref<256x128xf32, #tpu.memory_space<vmem>>, vector<1x16xf32>,
          %swap3A_631 = vector.shape_cast %swap3A_630 : vector<1x16xf32> to vector<16xf32>
          %swap3A_632 = vector.shape_cast %add3A_627 : vector<16xf32> to vector<1x16xf32>
          tpu.vector_store %arg12[%swap3A_628, %swap3A_629], %swap3A_632 {strides = array<i32>} : memref<256x128xf32, #tpu.memory_space<vmem>>, vector<1x16xf32>,
          %get3A_633 = arith.index_cast %scan3A_618 : i32 to index
          %get3A_634 = arith.constant 16 : index
          %get3A_635 = tpu.vector_load %arg12[%get3A_633, %get3A_634] {strides = array<i32>} : memref<256x128xf32, #tpu.memory_space<vmem>>, vector<1x16xf32>,
          %get3A_636 = vector.shape_cast %get3A_635 : vector<1x16xf32> to vector<16xf32>
          %get3A_637 = arith.index_cast %scan3A_618 : i32 to index
          %get3A_638 = arith.constant 16 : index
          %get3A_639 = tpu.vector_load %arg13[%get3A_637, %get3A_638] {strides = array<i32>} : memref<256x128xf32, #tpu.memory_space<vmem>>, vector<1x16xf32>,
          %get3A_640 = vector.shape_cast %get3A_639 : vector<1x16xf32> to vector<16xf32>
          %add3A_641 = arith.addf %get3A_636, %get3A_640 : vector<16xf32>
          %swap3A_642 = arith.index_cast %scan3A_618 : i32 to index
          %swap3A_643 = arith.constant 16 : index
          %swap3A_644 = tpu.vector_load %arg12[%swap3A_642, %swap3A_643] {strides = array<i32>} : memref<256x128xf32, #tpu.memory_space<vmem>>, vector<1x16xf32>,
          %swap3A_645 = vector.shape_cast %swap3A_644 : vector<1x16xf32> to vector<16xf32>
          %swap3A_646 = vector.shape_cast %add3A_641 : vector<16xf32> to vector<1x16xf32>
          tpu.vector_store %arg12[%swap3A_642, %swap3A_643], %swap3A_646 {strides = array<i32>} : memref<256x128xf32, #tpu.memory_space<vmem>>, vector<1x16xf32>,
          %get3A_647 = arith.index_cast %scan3A_618 : i32 to index
          %get3A_648 = arith.constant 32 : index
          %get3A_649 = tpu.vector_load %arg12[%get3A_647, %get3A_648] {strides = array<i32>} : memref<256x128xf32, #tpu.memory_space<vmem>>, vector<1x16xf32>,
          %get3A_650 = vector.shape_cast %get3A_649 : vector<1x16xf32> to vector<16xf32>
          %get3A_651 = arith.index_cast %scan3A_618 : i32 to index
          %get3A_652 = arith.constant 32 : index
          %get3A_653 = tpu.vector_load %arg13[%get3A_651, %get3A_652] {strides = array<i32>} : memref<256x128xf32, #tpu.memory_space<vmem>>, vector<1x16xf32>,
          %get3A_654 = vector.shape_cast %get3A_653 : vector<1x16xf32> to vector<16xf32>
          %add3A_655 = arith.addf %get3A_650, %get3A_654 : vector<16xf32>
          %swap3A_656 = arith.index_cast %scan3A_618 : i32 to index
          %swap3A_657 = arith.constant 32 : index
          %swap3A_658 = tpu.vector_load %arg12[%swap3A_656, %swap3A_657] {strides = array<i32>} : memref<256x128xf32, #tpu.memory_space<vmem>>, vector<1x16xf32>,
          %swap3A_659 = vector.shape_cast %swap3A_658 : vector<1x16xf32> to vector<16xf32>
          %swap3A_660 = vector.shape_cast %add3A_655 : vector<16xf32> to vector<1x16xf32>
          tpu.vector_store %arg12[%swap3A_656, %swap3A_657], %swap3A_660 {strides = array<i32>} : memref<256x128xf32, #tpu.memory_space<vmem>>, vector<1x16xf32>,
          %get3A_661 = arith.index_cast %scan3A_618 : i32 to index
          %get3A_662 = arith.constant 48 : index
          %get3A_663 = tpu.vector_load %arg12[%get3A_661, %get3A_662] {strides = array<i32>} : memref<256x128xf32, #tpu.memory_space<vmem>>, vector<1x16xf32>,
          %get3A_664 = vector.shape_cast %get3A_663 : vector<1x16xf32> to vector<16xf32>
          %get3A_665 = arith.index_cast %scan3A_618 : i32 to index
          %get3A_666 = arith.constant 48 : index
          %get3A_667 = tpu.vector_load %arg13[%get3A_665, %get3A_666] {strides = array<i32>} : memref<256x128xf32, #tpu.memory_space<vmem>>, vector<1x16xf32>,
          %get3A_668 = vector.shape_cast %get3A_667 : vector<1x16xf32> to vector<16xf32>
          %add3A_669 = arith.addf %get3A_664, %get3A_668 : vector<16xf32>
          %swap3A_670 = arith.index_cast %scan3A_618 : i32 to index
          %swap3A_671 = arith.constant 48 : index
          %swap3A_672 = tpu.vector_load %arg12[%swap3A_670, %swap3A_671] {strides = array<i32>} : memref<256x128xf32, #tpu.memory_space<vmem>>, vector<1x16xf32>,
          %swap3A_673 = vector.shape_cast %swap3A_672 : vector<1x16xf32> to vector<16xf32>
          %swap3A_674 = vector.shape_cast %add3A_669 : vector<16xf32> to vector<1x16xf32>
          tpu.vector_store %arg12[%swap3A_670, %swap3A_671], %swap3A_674 {strides = array<i32>} : memref<256x128xf32, #tpu.memory_space<vmem>>, vector<1x16xf32>,
          %get3A_675 = arith.index_cast %scan3A_618 : i32 to index
          %get3A_676 = arith.constant 64 : index
          %get3A_677 = tpu.vector_load %arg12[%get3A_675, %get3A_676] {strides = array<i32>} : memref<256x128xf32, #tpu.memory_space<vmem>>, vector<1x16xf32>,
          %get3A_678 = vector.shape_cast %get3A_677 : vector<1x16xf32> to vector<16xf32>
          %get3A_679 = arith.index_cast %scan3A_618 : i32 to index
          %get3A_680 = arith.constant 64 : index
          %get3A_681 = tpu.vector_load %arg13[%get3A_679, %get3A_680] {strides = array<i32>} : memref<256x128xf32, #tpu.memory_space<vmem>>, vector<1x16xf32>,
          %get3A_682 = vector.shape_cast %get3A_681 : vector<1x16xf32> to vector<16xf32>
          %add3A_683 = arith.addf %get3A_678, %get3A_682 : vector<16xf32>
          %mul3A_684 = arith.mulf %add3A_683, %select_n3A_9 : vector<16xf32>
          %swap3A_685 = arith.index_cast %scan3A_618 : i32 to index
          %swap3A_686 = arith.constant 64 : index
          %swap3A_687 = tpu.vector_load %arg12[%swap3A_685, %swap3A_686] {strides = array<i32>} : memref<256x128xf32, #tpu.memory_space<vmem>>, vector<1x16xf32>,
          %swap3A_688 = vector.shape_cast %swap3A_687 : vector<1x16xf32> to vector<16xf32>
          %swap3A_689 = vector.shape_cast %mul3A_684 : vector<16xf32> to vector<1x16xf32>
          tpu.vector_store %arg12[%swap3A_685, %swap3A_686], %swap3A_689 {strides = array<i32>} : memref<256x128xf32, #tpu.memory_space<vmem>>, vector<1x16xf32>,
        }
        %scan3A_617 = arith.constant 256 : i32
        "tpu.region"() ({
          %run_scoped3A = tpu.sem_alloc : memref<!tpu.dma_semaphore, #tpu.memory_space<semaphore_mem>>
          %dma_start3A_618 = arith.constant 0 : i32
          %dma_start3A_619 = tpu.memref_slice %arg6[%mul3A_23, %dma_start3A_618] : memref<320000x128xf32, #tpu.memory_space<hbm>> -> memref<256x128xf32, #tpu.memory_space<hbm>>
          %dma_start3A_620 = arith.constant 0 : i32
          %dma_start3A_621 = tpu.memref_slice %arg6[%mul3A_23, %dma_start3A_620] : memref<320000x128xf32, #tpu.memory_space<hbm>> -> memref<256x128xf32, #tpu.memory_space<hbm>>
          tpu.enqueue_dma source(%arg12 : memref<256x128xf32, #tpu.memory_space<vmem>>) target(%dma_start3A_621 : memref<256x128xf32, #tpu.memory_space<hbm>>) target_semaphore(%run_scoped3A : memref<!tpu.dma_semaphore, #tpu.memory_space<semaphore_mem>>)
          %dma_wait3A_622 = arith.constant 0 : i32
          %dma_wait3A_623 = tpu.memref_slice %arg6[%mul3A_23, %dma_wait3A_622] : memref<320000x128xf32, #tpu.memory_space<hbm>> -> memref<256x128xf32, #tpu.memory_space<hbm>>
          %dma_wait3A_624 = arith.constant 0 : i32
          %dma_wait3A_625 = tpu.memref_slice %arg6[%mul3A_23, %dma_wait3A_624] : memref<320000x128xf32, #tpu.memory_space<hbm>> -> memref<256x128xf32, #tpu.memory_space<hbm>>
          tpu.wait_dma2 semaphore(%run_scoped3A : memref<!tpu.dma_semaphore, #tpu.memory_space<semaphore_mem>>) src(%arg12 : memref<256x128xf32, #tpu.memory_space<vmem>>) dst(%dma_wait3A_625 : memref<256x128xf32, #tpu.memory_space<hbm>>)
          tpu.yield
        }) : () -> ()
      } else {
      }
    }
    %scan3A_14 = arith.constant 40 : i32
    return
  }
}

module attributes {stable_mosaic.version = 14 : i64} {
  func.func @_stage_a_body(%arg0: i32, %arg1: i32, %arg2: memref<2000x128xf32, #tpu.memory_space<vmem>>, %arg3: memref<128x128xbf16, #tpu.memory_space<vmem>>, %arg4: memref<128x128xbf16, #tpu.memory_space<vmem>>, %arg5: memref<2000x128xf32, #tpu.memory_space<vmem>>) attributes {dimension_semantics = [#tpu.dimension_semantics<arbitrary>, #tpu.dimension_semantics<arbitrary>], iteration_bounds = array<i64: 5, 16>, scalar_prefetch = 0 : i64, scratch_operands = 0 : i64, tpu.core_type = #tpu.core_type<tc>, window_params = [{transform_indices = @transform_0, window_bounds = array<i64: 2000, 128>}, {transform_indices = @transform_1, window_bounds = array<i64: 128, 128>}, {transform_indices = @transform_2, window_bounds = array<i64: 128, 128>}, {transform_indices = @transform_3, window_bounds = array<i64: 2000, 128>}]} {
    %get3A = arith.constant 0 : index
    %get3A_0 = arith.constant 0 : index
    %get3A_1 = vector.load %arg2[%get3A, %get3A_0] : memref<2000x128xf32, #tpu.memory_space<vmem>>, vector<2000x128xf32>
    %get3A_2 = arith.constant 0 : index
    %get3A_3 = arith.constant 0 : index
    %get3A_4 = vector.load %arg3[%get3A_2, %get3A_3] : memref<128x128xbf16, #tpu.memory_space<vmem>>, vector<128x128xbf16>
    %get3A_5 = arith.constant 0 : index
    %get3A_6 = arith.constant 0 : index
    %get3A_7 = vector.load %arg4[%get3A_5, %get3A_6] : memref<128x128xbf16, #tpu.memory_space<vmem>>, vector<128x128xbf16>
    %convert_element_type3A = arith.truncf %get3A_1 : vector<2000x128xf32> to vector<2000x128xbf16>
    %convert_element_type3A_8 = arith.extf %convert_element_type3A : vector<2000x128xbf16> to vector<2000x128xf32>
    %sub3A = arith.subf %get3A_1, %convert_element_type3A_8 : vector<2000x128xf32>
    %convert_element_type3A_9 = arith.truncf %sub3A : vector<2000x128xf32> to vector<2000x128xbf16>
    %dot_general3A = arith.constant dense<0.000000e+00> : vector<2000x128xf32>
    %dot_general3A_10 = tpu.matmul %convert_element_type3A, %get3A_4, %dot_general3A {dimension_numbers = #tpu.dot_dimension_numbers<[1], [0], [0], [1], [0, 0, 1, 1], [], []>, transpose_lhs_hint = false} : vector<2000x128xbf16>, vector<128x128xbf16>, vector<2000x128xf32> -> vector<2000x128xf32>
    %dot_general3A_11 = arith.constant dense<0.000000e+00> : vector<2000x128xf32>
    %dot_general3A_12 = tpu.matmul %convert_element_type3A_9, %get3A_4, %dot_general3A_11 {dimension_numbers = #tpu.dot_dimension_numbers<[1], [0], [0], [1], [0, 0, 1, 1], [], []>, transpose_lhs_hint = false} : vector<2000x128xbf16>, vector<128x128xbf16>, vector<2000x128xf32> -> vector<2000x128xf32>
    %add3A = arith.addf %dot_general3A_10, %dot_general3A_12 : vector<2000x128xf32>
    %dot_general3A_13 = arith.constant dense<0.000000e+00> : vector<2000x128xf32>
    %dot_general3A_14 = tpu.matmul %convert_element_type3A, %get3A_7, %dot_general3A_13 {dimension_numbers = #tpu.dot_dimension_numbers<[1], [0], [0], [1], [0, 0, 1, 1], [], []>, transpose_lhs_hint = false} : vector<2000x128xbf16>, vector<128x128xbf16>, vector<2000x128xf32> -> vector<2000x128xf32>
    %add3A_15 = arith.addf %add3A, %dot_general3A_14 : vector<2000x128xf32>
    %reduce_sum3A = arith.constant dense<0.000000e+00> : vector<2000xf32>
    %reduce_sum3A_16 = vector.multi_reduction <add>, %get3A_1, %reduce_sum3A [1] : vector<2000x128xf32> to vector<2000xf32>
    %broadcast_in_dim3A = vector.shape_cast %reduce_sum3A_16 : vector<2000xf32> to vector<2000x1xf32>
    %mul3A = arith.mulf %get3A_1, %get3A_1 : vector<2000x128xf32>
    %reduce_sum3A_17 = arith.constant dense<0.000000e+00> : vector<2000xf32>
    %reduce_sum3A_18 = vector.multi_reduction <add>, %mul3A, %reduce_sum3A_17 [1] : vector<2000x128xf32> to vector<2000xf32>
    %broadcast_in_dim3A_19 = vector.shape_cast %reduce_sum3A_18 : vector<2000xf32> to vector<2000x1xf32>
    %iota3A = tpu.iota {dimensions = array<i32: 1>} : vector<2000x128xi32>
    %eq3A = arith.constant 64 : i32
    %eq3A_20 = vector.broadcast %eq3A : i32 to vector<2000x128xi32>
    %eq3A_21 = arith.cmpi eq, %iota3A, %eq3A_20 : vector<2000x128xi32>
    %jit3A = arith.constant 1.000000e+00 : f32
    %jit3A_22 = arith.constant 0.000000e+00 : f32
    %broadcast_in_dim3A_23 = vector.broadcast %jit3A : f32 to vector<2000x128xf32>
    %broadcast_in_dim3A_24 = vector.broadcast %jit3A_22 : f32 to vector<2000x128xf32>
    %select_n3A = arith.select %eq3A_21, %broadcast_in_dim3A_23, %broadcast_in_dim3A_24 : vector<2000x128xi1>, vector<2000x128xf32>
    %mul3A_25 = vector.broadcast %broadcast_in_dim3A : vector<2000x1xf32> to vector<2000x128xf32>
    %mul3A_26 = arith.mulf %select_n3A, %mul3A_25 : vector<2000x128xf32>
    %add3A_27 = arith.addf %add3A_15, %mul3A_26 : vector<2000x128xf32>
    %eq3A_28 = arith.constant 65 : i32
    %eq3A_29 = vector.broadcast %eq3A_28 : i32 to vector<2000x128xi32>
    %eq3A_30 = arith.cmpi eq, %iota3A, %eq3A_29 : vector<2000x128xi32>
    %jit3A_31 = arith.constant 1.000000e+00 : f32
    %jit3A_32 = arith.constant 0.000000e+00 : f32
    %broadcast_in_dim3A_33 = vector.broadcast %jit3A_31 : f32 to vector<2000x128xf32>
    %broadcast_in_dim3A_34 = vector.broadcast %jit3A_32 : f32 to vector<2000x128xf32>
    %select_n3A_35 = arith.select %eq3A_30, %broadcast_in_dim3A_33, %broadcast_in_dim3A_34 : vector<2000x128xi1>, vector<2000x128xf32>
    %mul3A_36 = vector.broadcast %broadcast_in_dim3A_19 : vector<2000x1xf32> to vector<2000x128xf32>
    %mul3A_37 = arith.mulf %select_n3A_35, %mul3A_36 : vector<2000x128xf32>
    %add3A_38 = arith.addf %add3A_27, %mul3A_37 : vector<2000x128xf32>
    %lt3A = arith.constant 8 : i32
    %lt3A_39 = arith.cmpi slt, %arg1, %lt3A : i32
    %jit3A_40 = arith.constant 0 : i32
    %select_n3A_41 = arith.select %lt3A_39, %arg1, %jit3A_40 : i32
    %convert_element_type3A_42 = arith.sitofp %select_n3A_41 : i32 to f32
    %eq3A_43 = arith.constant 66 : i32
    %eq3A_44 = vector.broadcast %eq3A_43 : i32 to vector<2000x128xi32>
    %eq3A_45 = arith.cmpi eq, %iota3A, %eq3A_44 : vector<2000x128xi32>
    %jit3A_46 = arith.constant 1.000000e+00 : f32
    %jit3A_47 = arith.constant 0.000000e+00 : f32
    %broadcast_in_dim3A_48 = vector.broadcast %jit3A_46 : f32 to vector<2000x128xf32>
    %broadcast_in_dim3A_49 = vector.broadcast %jit3A_47 : f32 to vector<2000x128xf32>
    %select_n3A_50 = arith.select %eq3A_45, %broadcast_in_dim3A_48, %broadcast_in_dim3A_49 : vector<2000x128xi1>, vector<2000x128xf32>
    %mul3A_51 = vector.broadcast %convert_element_type3A_42 : f32 to vector<2000x128xf32>
    %mul3A_52 = arith.mulf %select_n3A_50, %mul3A_51 : vector<2000x128xf32>
    %add3A_53 = arith.addf %add3A_38, %mul3A_52 : vector<2000x128xf32>
    %swap3A = arith.constant 0 : index
    %swap3A_54 = arith.constant 0 : index
    %swap3A_55 = vector.load %arg5[%swap3A, %swap3A_54] : memref<2000x128xf32, #tpu.memory_space<vmem>>, vector<2000x128xf32>
    tpu.vector_store %arg5[%swap3A, %swap3A_54], %add3A_53 {strides = array<i32>} : memref<2000x128xf32, #tpu.memory_space<vmem>>, vector<2000x128xf32>,
    return
  }
  func.func @transform_0(%arg0: i32, %arg1: i32) -> (i32, i32) {
    %c0_i32 = arith.constant 0 : i32
    %c0_i32_0 = arith.constant 0 : i32
    return %arg0, %c0_i32 : i32, i32
  }
  func.func @transform_1(%arg0: i32, %arg1: i32) -> (i32, i32) {
    %c0_i32 = arith.constant 0 : i32
    %c0_i32_0 = arith.constant 0 : i32
    return %c0_i32, %arg1 : i32, i32
  }
  func.func @transform_2(%arg0: i32, %arg1: i32) -> (i32, i32) {
    %c0_i32 = arith.constant 0 : i32
    %c0_i32_0 = arith.constant 0 : i32
    return %c0_i32, %arg1 : i32, i32
  }
  func.func @transform_3(%arg0: i32, %arg1: i32) -> (i32, i32) {
    %mul3A = arith.constant 5 : i32
    %mul3A_0 = arith.muli %arg1, %mul3A : i32
    %add3A = arith.addi %mul3A_0, %arg0 : i32
    %c0_i32 = arith.constant 0 : i32
    %c0_i32_1 = arith.constant 0 : i32
    return %add3A, %c0_i32 : i32, i32
  }
}

module attributes {stable_mosaic.version = 14 : i64} {
  func.func @_stage_c_body(%arg0: i32, %arg1: memref<4000x128xf32, #tpu.memory_space<vmem>>, %arg2: memref<8x144xbf16, #tpu.memory_space<vmem>>, %arg3: memref<8x144xbf16, #tpu.memory_space<vmem>>, %arg4: memref<64x128xbf16, #tpu.memory_space<vmem>>, %arg5: memref<64x128xbf16, #tpu.memory_space<vmem>>, %arg6: memref<4000x16xf32, #tpu.memory_space<vmem>>) attributes {dimension_semantics = [#tpu.dimension_semantics<arbitrary>], iteration_bounds = array<i64: 80>, scalar_prefetch = 0 : i64, scratch_operands = 0 : i64, tpu.core_type = #tpu.core_type<tc>, window_params = [{transform_indices = @transform_0, window_bounds = array<i64: 4000, 128>}, {pipeline_mode = #tpu.pipeline_mode<synchronous>, transform_indices = @transform_1, window_bounds = array<i64: 8, 144>}, {pipeline_mode = #tpu.pipeline_mode<synchronous>, transform_indices = @transform_2, window_bounds = array<i64: 8, 144>}, {pipeline_mode = #tpu.pipeline_mode<synchronous>, transform_indices = @transform_3, window_bounds = array<i64: 64, 128>}, {pipeline_mode = #tpu.pipeline_mode<synchronous>, transform_indices = @transform_4, window_bounds = array<i64: 64, 128>}, {transform_indices = @transform_5, window_bounds = array<i64: 4000, 16>}]} {
    %get3A = arith.constant 0 : index
    %get3A_0 = arith.constant 0 : index
    %get3A_1 = vector.load %arg1[%get3A, %get3A_0] : memref<4000x128xf32, #tpu.memory_space<vmem>>, vector<4000x128xf32>
    %slice3A = vector.extract_strided_slice %get3A_1 {offsets = [0, 0], sizes = [4000, 64], strides = [1, 1]} : vector<4000x128xf32> to vector<4000x64xf32>
    %slice3A_2 = vector.extract_strided_slice %get3A_1 {offsets = [0, 64], sizes = [4000, 1], strides = [1, 1]} : vector<4000x128xf32> to vector<4000x1xf32>
    %slice3A_3 = vector.extract_strided_slice %get3A_1 {offsets = [0, 65], sizes = [4000, 1], strides = [1, 1]} : vector<4000x128xf32> to vector<4000x1xf32>
    %slice3A_4 = vector.extract_strided_slice %get3A_1 {offsets = [0, 66], sizes = [4000, 1], strides = [1, 1]} : vector<4000x128xf32> to vector<4000x1xf32>
    %mul3A = arith.mulf %slice3A_2, %slice3A_2 : vector<4000x1xf32>
    %sub3A = arith.subf %slice3A_3, %mul3A : vector<4000x1xf32>
    %add3A = arith.constant 9.99999974E-6 : f32
    %add3A_5 = vector.broadcast %add3A : f32 to vector<4000x1xf32>
    %add3A_6 = arith.addf %sub3A, %add3A_5 : vector<4000x1xf32>
    %rsqrt3A = math.rsqrt %add3A_6 : vector<4000x1xf32>
    %convert_element_type3A = arith.fptosi %slice3A_4 : vector<4000x1xf32> to vector<4000x1xi32>
    %iota3A = tpu.iota {dimensions = array<i32: 1>} : vector<4000x8xi32>
    %eq3A = vector.broadcast %convert_element_type3A : vector<4000x1xi32> to vector<4000x8xi32>
    %eq3A_7 = arith.cmpi eq, %eq3A, %iota3A : vector<4000x8xi32>
    %convert_element_type3A_8 = arith.extui %eq3A_7 : vector<4000x8xi1> to vector<4000x8xi32>
    %convert_element_type3A_9 = arith.sitofp %convert_element_type3A_8 : vector<4000x8xi32> to vector<4000x8xf32>
    %convert_element_type3A_10 = arith.truncf %convert_element_type3A_9 : vector<4000x8xf32> to vector<4000x8xbf16>
    %get3A_11 = arith.constant 0 : index
    %get3A_12 = arith.constant 0 : index
    %get3A_13 = vector.load %arg2[%get3A_11, %get3A_12] : memref<8x144xbf16, #tpu.memory_space<vmem>>, vector<8x144xbf16>
    %dot_general3A = arith.constant dense<0.000000e+00> : vector<4000x144xf32>
    %dot_general3A_14 = tpu.matmul %convert_element_type3A_10, %get3A_13, %dot_general3A {dimension_numbers = #tpu.dot_dimension_numbers<[1], [0], [0], [1], [0, 0, 1, 1], [], []>, transpose_lhs_hint = false} : vector<4000x8xbf16>, vector<8x144xbf16>, vector<4000x144xf32> -> vector<4000x144xf32>
    %get3A_15 = arith.constant 0 : index
    %get3A_16 = arith.constant 0 : index
    %get3A_17 = vector.load %arg3[%get3A_15, %get3A_16] : memref<8x144xbf16, #tpu.memory_space<vmem>>, vector<8x144xbf16>
    %dot_general3A_18 = arith.constant dense<0.000000e+00> : vector<4000x144xf32>
    %dot_general3A_19 = tpu.matmul %convert_element_type3A_10, %get3A_17, %dot_general3A_18 {dimension_numbers = #tpu.dot_dimension_numbers<[1], [0], [0], [1], [0, 0, 1, 1], [], []>, transpose_lhs_hint = false} : vector<4000x8xbf16>, vector<8x144xbf16>, vector<4000x144xf32> -> vector<4000x144xf32>
    %add3A_20 = arith.addf %dot_general3A_14, %dot_general3A_19 : vector<4000x144xf32>
    %slice3A_21 = vector.extract_strided_slice %add3A_20 {offsets = [0, 0], sizes = [4000, 64], strides = [1, 1]} : vector<4000x144xf32> to vector<4000x64xf32>
    %slice3A_22 = vector.extract_strided_slice %add3A_20 {offsets = [0, 64], sizes = [4000, 64], strides = [1, 1]} : vector<4000x144xf32> to vector<4000x64xf32>
    %slice3A_23 = vector.extract_strided_slice %add3A_20 {offsets = [0, 128], sizes = [4000, 16], strides = [1, 1]} : vector<4000x144xf32> to vector<4000x16xf32>
    %mul3A_24 = vector.broadcast %slice3A_2 : vector<4000x1xf32> to vector<4000x64xf32>
    %mul3A_25 = arith.mulf %mul3A_24, %slice3A_21 : vector<4000x64xf32>
    %sub3A_26 = arith.subf %slice3A, %mul3A_25 : vector<4000x64xf32>
    %mul3A_27 = vector.broadcast %rsqrt3A : vector<4000x1xf32> to vector<4000x64xf32>
    %mul3A_28 = arith.mulf %sub3A_26, %mul3A_27 : vector<4000x64xf32>
    %add3A_29 = arith.addf %mul3A_28, %slice3A_22 : vector<4000x64xf32>
    %max3A = arith.constant 0.000000e+00 : f32
    %max3A_30 = vector.broadcast %max3A : f32 to vector<4000x64xf32>
    %max3A_31 = arith.maximumf %add3A_29, %max3A_30 : vector<4000x64xf32>
    %get3A_32 = arith.constant 0 : index
    %get3A_33 = arith.constant 0 : index
    %get3A_34 = vector.load %arg4[%get3A_32, %get3A_33] : memref<64x128xbf16, #tpu.memory_space<vmem>>, vector<64x128xbf16>
    %get3A_35 = arith.constant 0 : index
    %get3A_36 = arith.constant 0 : index
    %get3A_37 = vector.load %arg5[%get3A_35, %get3A_36] : memref<64x128xbf16, #tpu.memory_space<vmem>>, vector<64x128xbf16>
    %convert_element_type3A_38 = arith.truncf %max3A_31 : vector<4000x64xf32> to vector<4000x64xbf16>
    %convert_element_type3A_39 = arith.extf %convert_element_type3A_38 : vector<4000x64xbf16> to vector<4000x64xf32>
    %sub3A_40 = arith.subf %max3A_31, %convert_element_type3A_39 : vector<4000x64xf32>
    %convert_element_type3A_41 = arith.truncf %sub3A_40 : vector<4000x64xf32> to vector<4000x64xbf16>
    %dot_general3A_42 = arith.constant dense<0.000000e+00> : vector<4000x128xf32>
    %dot_general3A_43 = tpu.matmul %convert_element_type3A_38, %get3A_34, %dot_general3A_42 {dimension_numbers = #tpu.dot_dimension_numbers<[1], [0], [0], [1], [0, 0, 1, 1], [], []>, transpose_lhs_hint = false} : vector<4000x64xbf16>, vector<64x128xbf16>, vector<4000x128xf32> -> vector<4000x128xf32>
    %dot_general3A_44 = arith.constant dense<0.000000e+00> : vector<4000x128xf32>
    %dot_general3A_45 = tpu.matmul %convert_element_type3A_41, %get3A_34, %dot_general3A_44 {dimension_numbers = #tpu.dot_dimension_numbers<[1], [0], [0], [1], [0, 0, 1, 1], [], []>, transpose_lhs_hint = false} : vector<4000x64xbf16>, vector<64x128xbf16>, vector<4000x128xf32> -> vector<4000x128xf32>
    %add3A_46 = arith.addf %dot_general3A_43, %dot_general3A_45 : vector<4000x128xf32>
    %dot_general3A_47 = arith.constant dense<0.000000e+00> : vector<4000x128xf32>
    %dot_general3A_48 = tpu.matmul %convert_element_type3A_38, %get3A_37, %dot_general3A_47 {dimension_numbers = #tpu.dot_dimension_numbers<[1], [0], [0], [1], [0, 0, 1, 1], [], []>, transpose_lhs_hint = false} : vector<4000x64xbf16>, vector<64x128xbf16>, vector<4000x128xf32> -> vector<4000x128xf32>
    %add3A_49 = arith.addf %add3A_46, %dot_general3A_48 : vector<4000x128xf32>
    %iota3A_50 = tpu.iota {dimensions = array<i32: 1>} : vector<4000x128xi32>
    %jit3A = arith.constant 16 : i32
    %div3A = vector.broadcast %jit3A : i32 to vector<4000x128xi32>
    %div3A_51 = arith.divsi %iota3A_50, %div3A : vector<4000x128xi32>
    %sign3A = arith.constant 0 : i32
    %sign3A_52 = vector.broadcast %sign3A : i32 to vector<4000x128xi32>
    %sign3A_53 = arith.cmpi sgt, %iota3A_50, %sign3A_52 : vector<4000x128xi32>
    %sign3A_54 = arith.extui %sign3A_53 : vector<4000x128xi1> to vector<4000x128xi32>
    %sign3A_55 = arith.constant 0 : i32
    %sign3A_56 = vector.broadcast %sign3A_55 : i32 to vector<4000x128xi32>
    %sign3A_57 = arith.cmpi slt, %iota3A_50, %sign3A_56 : vector<4000x128xi32>
    %sign3A_58 = arith.extui %sign3A_57 : vector<4000x128xi1> to vector<4000x128xi32>
    %sign3A_59 = arith.subi %sign3A_54, %sign3A_58 : vector<4000x128xi32>
    %sign3A_60 = arith.constant 0 : i32
    %sign3A_61 = arith.cmpi sgt, %jit3A, %sign3A_60 : i32
    %sign3A_62 = arith.extui %sign3A_61 : i1 to i32
    %sign3A_63 = arith.constant 0 : i32
    %sign3A_64 = arith.cmpi slt, %jit3A, %sign3A_63 : i32
    %sign3A_65 = arith.extui %sign3A_64 : i1 to i32
    %sign3A_66 = arith.subi %sign3A_62, %sign3A_65 : i32
    %ne3A = vector.broadcast %sign3A_66 : i32 to vector<4000x128xi32>
    %ne3A_67 = arith.cmpi ne, %sign3A_59, %ne3A : vector<4000x128xi32>
    %rem3A = vector.broadcast %jit3A : i32 to vector<4000x128xi32>
    %rem3A_68 = arith.remsi %iota3A_50, %rem3A : vector<4000x128xi32>
    %ne3A_69 = arith.constant 0 : i32
    %ne3A_70 = vector.broadcast %ne3A_69 : i32 to vector<4000x128xi32>
    %ne3A_71 = arith.cmpi ne, %rem3A_68, %ne3A_70 : vector<4000x128xi32>
    %and3A = arith.andi %ne3A_67, %ne3A_71 : vector<4000x128xi1>
    %sub3A_72 = arith.constant 1 : i32
    %sub3A_73 = vector.broadcast %sub3A_72 : i32 to vector<4000x128xi32>
    %sub3A_74 = arith.subi %div3A_51, %sub3A_73 : vector<4000x128xi32>
    %select_n3A = arith.select %and3A, %sub3A_74, %div3A_51 : vector<4000x128xi1>, vector<4000x128xi32>
    %eq3A_75 = vector.broadcast %convert_element_type3A : vector<4000x1xi32> to vector<4000x128xi32>
    %eq3A_76 = arith.cmpi eq, %select_n3A, %eq3A_75 : vector<4000x128xi32>
    %jit3A_77 = arith.constant 0.000000e+00 : f32
    %broadcast_in_dim3A = vector.broadcast %jit3A_77 : f32 to vector<4000x128xf32>
    %select_n3A_78 = arith.select %eq3A_76, %add3A_49, %broadcast_in_dim3A : vector<4000x128xi1>, vector<4000x128xf32>
    %iota3A_79 = tpu.iota {dimensions = array<i32: 0>} : vector<128x16xi32>
    %jit3A_80 = arith.constant 16 : i32
    %eq3A_81 = arith.constant 0 : i32
    %eq3A_82 = arith.cmpi eq, %jit3A_80, %eq3A_81 : i32
    %jit3A_83 = arith.constant 1 : i32
    %select_n3A_84 = arith.select %eq3A_82, %jit3A_83, %jit3A_80 : i32
    %rem3A_85 = vector.broadcast %select_n3A_84 : i32 to vector<128x16xi32>
    %rem3A_86 = arith.remsi %iota3A_79, %rem3A_85 : vector<128x16xi32>
    %ne3A_87 = arith.constant 0 : i32
    %ne3A_88 = vector.broadcast %ne3A_87 : i32 to vector<128x16xi32>
    %ne3A_89 = arith.cmpi ne, %rem3A_86, %ne3A_88 : vector<128x16xi32>
    %lt3A = arith.constant 0 : i32
    %lt3A_90 = vector.broadcast %lt3A : i32 to vector<128x16xi32>
    %lt3A_91 = arith.cmpi slt, %rem3A_86, %lt3A_90 : vector<128x16xi32>
    %lt3A_92 = arith.constant 0 : i32
    %lt3A_93 = arith.cmpi slt, %select_n3A_84, %lt3A_92 : i32
    %ne3A_94 = vector.broadcast %lt3A_93 : i1 to vector<128x16xi1>
    %ne3A_95 = vector.broadcast %ne3A_94 : vector<128x16xi1> to vector<128x16xi1>
    %ne3A_96 = arith.xori %lt3A_91, %ne3A_95 : vector<128x16xi1>
    %and3A_97 = arith.andi %ne3A_96, %ne3A_89 : vector<128x16xi1>
    %add3A_98 = vector.broadcast %select_n3A_84 : i32 to vector<128x16xi32>
    %add3A_99 = arith.addi %rem3A_86, %add3A_98 : vector<128x16xi32>
    %select_n3A_100 = arith.select %and3A_97, %add3A_99, %rem3A_86 : vector<128x16xi1>, vector<128x16xi32>
    %iota3A_101 = tpu.iota {dimensions = array<i32: 1>} : vector<128x16xi32>
    %eq3A_102 = arith.cmpi eq, %select_n3A_100, %iota3A_101 : vector<128x16xi32>
    %convert_element_type3A_103 = arith.extui %eq3A_102 : vector<128x16xi1> to vector<128x16xi32>
    %convert_element_type3A_104 = arith.sitofp %convert_element_type3A_103 : vector<128x16xi32> to vector<128x16xf32>
    %convert_element_type3A_105 = arith.truncf %convert_element_type3A_104 : vector<128x16xf32> to vector<128x16xbf16>
    %convert_element_type3A_106 = arith.truncf %select_n3A_78 : vector<4000x128xf32> to vector<4000x128xbf16>
    %convert_element_type3A_107 = arith.extf %convert_element_type3A_106 : vector<4000x128xbf16> to vector<4000x128xf32>
    %sub3A_108 = arith.subf %select_n3A_78, %convert_element_type3A_107 : vector<4000x128xf32>
    %convert_element_type3A_109 = arith.truncf %sub3A_108 : vector<4000x128xf32> to vector<4000x128xbf16>
    %dot_general3A_110 = arith.constant dense<0.000000e+00> : vector<4000x16xf32>
    %dot_general3A_111 = tpu.matmul %convert_element_type3A_106, %convert_element_type3A_105, %dot_general3A_110 {dimension_numbers = #tpu.dot_dimension_numbers<[1], [0], [0], [1], [0, 0, 1, 1], [], []>, transpose_lhs_hint = false} : vector<4000x128xbf16>, vector<128x16xbf16>, vector<4000x16xf32> -> vector<4000x16xf32>
    %dot_general3A_112 = arith.constant dense<0.000000e+00> : vector<4000x16xf32>
    %dot_general3A_113 = tpu.matmul %convert_element_type3A_109, %convert_element_type3A_105, %dot_general3A_112 {dimension_numbers = #tpu.dot_dimension_numbers<[1], [0], [0], [1], [0, 0, 1, 1], [], []>, transpose_lhs_hint = false} : vector<4000x128xbf16>, vector<128x16xbf16>, vector<4000x16xf32> -> vector<4000x16xf32>
    %add3A_114 = arith.addf %dot_general3A_111, %dot_general3A_113 : vector<4000x16xf32>
    %add3A_115 = arith.addf %add3A_114, %slice3A_23 : vector<4000x16xf32>
    %exp3A = math.exp %add3A_115 : vector<4000x16xf32>
    %iota3A_116 = tpu.iota {dimensions = array<i32: 0>} : vector<16x16xi32>
    %jit3A_117 = arith.constant 4 : i32
    %div3A_118 = vector.broadcast %jit3A_117 : i32 to vector<16x16xi32>
    %div3A_119 = arith.divsi %iota3A_116, %div3A_118 : vector<16x16xi32>
    %sign3A_120 = arith.constant 0 : i32
    %sign3A_121 = vector.broadcast %sign3A_120 : i32 to vector<16x16xi32>
    %sign3A_122 = arith.cmpi sgt, %iota3A_116, %sign3A_121 : vector<16x16xi32>
    %sign3A_123 = arith.extui %sign3A_122 : vector<16x16xi1> to vector<16x16xi32>
    %sign3A_124 = arith.constant 0 : i32
    %sign3A_125 = vector.broadcast %sign3A_124 : i32 to vector<16x16xi32>
    %sign3A_126 = arith.cmpi slt, %iota3A_116, %sign3A_125 : vector<16x16xi32>
    %sign3A_127 = arith.extui %sign3A_126 : vector<16x16xi1> to vector<16x16xi32>
    %sign3A_128 = arith.subi %sign3A_123, %sign3A_127 : vector<16x16xi32>
    %sign3A_129 = arith.constant 0 : i32
    %sign3A_130 = arith.cmpi sgt, %jit3A_117, %sign3A_129 : i32
    %sign3A_131 = arith.extui %sign3A_130 : i1 to i32
    %sign3A_132 = arith.constant 0 : i32
    %sign3A_133 = arith.cmpi slt, %jit3A_117, %sign3A_132 : i32
    %sign3A_134 = arith.extui %sign3A_133 : i1 to i32
    %sign3A_135 = arith.subi %sign3A_131, %sign3A_134 : i32
    %ne3A_136 = vector.broadcast %sign3A_135 : i32 to vector<16x16xi32>
    %ne3A_137 = arith.cmpi ne, %sign3A_128, %ne3A_136 : vector<16x16xi32>
    %rem3A_138 = vector.broadcast %jit3A_117 : i32 to vector<16x16xi32>
    %rem3A_139 = arith.remsi %iota3A_116, %rem3A_138 : vector<16x16xi32>
    %ne3A_140 = arith.constant 0 : i32
    %ne3A_141 = vector.broadcast %ne3A_140 : i32 to vector<16x16xi32>
    %ne3A_142 = arith.cmpi ne, %rem3A_139, %ne3A_141 : vector<16x16xi32>
    %and3A_143 = arith.andi %ne3A_137, %ne3A_142 : vector<16x16xi1>
    %sub3A_144 = arith.constant 1 : i32
    %sub3A_145 = vector.broadcast %sub3A_144 : i32 to vector<16x16xi32>
    %sub3A_146 = arith.subi %div3A_119, %sub3A_145 : vector<16x16xi32>
    %select_n3A_147 = arith.select %and3A_143, %sub3A_146, %div3A_119 : vector<16x16xi1>, vector<16x16xi32>
    %iota3A_148 = tpu.iota {dimensions = array<i32: 1>} : vector<16x16xi32>
    %jit3A_149 = arith.constant 4 : i32
    %div3A_150 = vector.broadcast %jit3A_149 : i32 to vector<16x16xi32>
    %div3A_151 = arith.divsi %iota3A_148, %div3A_150 : vector<16x16xi32>
    %sign3A_152 = arith.constant 0 : i32
    %sign3A_153 = vector.broadcast %sign3A_152 : i32 to vector<16x16xi32>
    %sign3A_154 = arith.cmpi sgt, %iota3A_148, %sign3A_153 : vector<16x16xi32>
    %sign3A_155 = arith.extui %sign3A_154 : vector<16x16xi1> to vector<16x16xi32>
    %sign3A_156 = arith.constant 0 : i32
    %sign3A_157 = vector.broadcast %sign3A_156 : i32 to vector<16x16xi32>
    %sign3A_158 = arith.cmpi slt, %iota3A_148, %sign3A_157 : vector<16x16xi32>
    %sign3A_159 = arith.extui %sign3A_158 : vector<16x16xi1> to vector<16x16xi32>
    %sign3A_160 = arith.subi %sign3A_155, %sign3A_159 : vector<16x16xi32>
    %sign3A_161 = arith.constant 0 : i32
    %sign3A_162 = arith.cmpi sgt, %jit3A_149, %sign3A_161 : i32
    %sign3A_163 = arith.extui %sign3A_162 : i1 to i32
    %sign3A_164 = arith.constant 0 : i32
    %sign3A_165 = arith.cmpi slt, %jit3A_149, %sign3A_164 : i32
    %sign3A_166 = arith.extui %sign3A_165 : i1 to i32
    %sign3A_167 = arith.subi %sign3A_163, %sign3A_166 : i32
    %ne3A_168 = vector.broadcast %sign3A_167 : i32 to vector<16x16xi32>
    %ne3A_169 = arith.cmpi ne, %sign3A_160, %ne3A_168 : vector<16x16xi32>
    %rem3A_170 = vector.broadcast %jit3A_149 : i32 to vector<16x16xi32>
    %rem3A_171 = arith.remsi %iota3A_148, %rem3A_170 : vector<16x16xi32>
    %ne3A_172 = arith.constant 0 : i32
    %ne3A_173 = vector.broadcast %ne3A_172 : i32 to vector<16x16xi32>
    %ne3A_174 = arith.cmpi ne, %rem3A_171, %ne3A_173 : vector<16x16xi32>
    %and3A_175 = arith.andi %ne3A_169, %ne3A_174 : vector<16x16xi1>
    %sub3A_176 = arith.constant 1 : i32
    %sub3A_177 = vector.broadcast %sub3A_176 : i32 to vector<16x16xi32>
    %sub3A_178 = arith.subi %div3A_151, %sub3A_177 : vector<16x16xi32>
    %select_n3A_179 = arith.select %and3A_175, %sub3A_178, %div3A_151 : vector<16x16xi1>, vector<16x16xi32>
    %eq3A_180 = arith.cmpi eq, %select_n3A_147, %select_n3A_179 : vector<16x16xi32>
    %convert_element_type3A_181 = arith.extui %eq3A_180 : vector<16x16xi1> to vector<16x16xi32>
    %convert_element_type3A_182 = arith.sitofp %convert_element_type3A_181 : vector<16x16xi32> to vector<16x16xf32>
    %convert_element_type3A_183 = arith.truncf %convert_element_type3A_182 : vector<16x16xf32> to vector<16x16xbf16>
    %convert_element_type3A_184 = arith.truncf %exp3A : vector<4000x16xf32> to vector<4000x16xbf16>
    %convert_element_type3A_185 = arith.extf %convert_element_type3A_184 : vector<4000x16xbf16> to vector<4000x16xf32>
    %sub3A_186 = arith.subf %exp3A, %convert_element_type3A_185 : vector<4000x16xf32>
    %convert_element_type3A_187 = arith.truncf %sub3A_186 : vector<4000x16xf32> to vector<4000x16xbf16>
    %dot_general3A_188 = arith.constant dense<0.000000e+00> : vector<4000x16xf32>
    %dot_general3A_189 = tpu.matmul %convert_element_type3A_184, %convert_element_type3A_183, %dot_general3A_188 {dimension_numbers = #tpu.dot_dimension_numbers<[1], [0], [0], [1], [0, 0, 1, 1], [], []>, transpose_lhs_hint = false} : vector<4000x16xbf16>, vector<16x16xbf16>, vector<4000x16xf32> -> vector<4000x16xf32>
    %dot_general3A_190 = arith.constant dense<0.000000e+00> : vector<4000x16xf32>
    %dot_general3A_191 = tpu.matmul %convert_element_type3A_187, %convert_element_type3A_183, %dot_general3A_190 {dimension_numbers = #tpu.dot_dimension_numbers<[1], [0], [0], [1], [0, 0, 1, 1], [], []>, transpose_lhs_hint = false} : vector<4000x16xbf16>, vector<16x16xbf16>, vector<4000x16xf32> -> vector<4000x16xf32>
    %add3A_192 = arith.addf %dot_general3A_189, %dot_general3A_191 : vector<4000x16xf32>
    %div3A_193 = arith.divf %exp3A, %add3A_192 : vector<4000x16xf32>
    %iota3A_194 = tpu.iota {dimensions = array<i32: 1>} : vector<4000x16xi32>
    %jit3A_195 = arith.constant 5 : i32
    %eq3A_196 = arith.constant 0 : i32
    %eq3A_197 = arith.cmpi eq, %jit3A_195, %eq3A_196 : i32
    %jit3A_198 = arith.constant 1 : i32
    %select_n3A_199 = arith.select %eq3A_197, %jit3A_198, %jit3A_195 : i32
    %rem3A_200 = vector.broadcast %select_n3A_199 : i32 to vector<4000x16xi32>
    %rem3A_201 = arith.remsi %iota3A_194, %rem3A_200 : vector<4000x16xi32>
    %ne3A_202 = arith.constant 0 : i32
    %ne3A_203 = vector.broadcast %ne3A_202 : i32 to vector<4000x16xi32>
    %ne3A_204 = arith.cmpi ne, %rem3A_201, %ne3A_203 : vector<4000x16xi32>
    %lt3A_205 = arith.constant 0 : i32
    %lt3A_206 = vector.broadcast %lt3A_205 : i32 to vector<4000x16xi32>
    %lt3A_207 = arith.cmpi slt, %rem3A_201, %lt3A_206 : vector<4000x16xi32>
    %lt3A_208 = arith.constant 0 : i32
    %lt3A_209 = arith.cmpi slt, %select_n3A_199, %lt3A_208 : i32
    %ne3A_210 = vector.broadcast %lt3A_209 : i1 to vector<4000x16xi1>
    %ne3A_211 = vector.broadcast %ne3A_210 : vector<4000x16xi1> to vector<4000x16xi1>
    %ne3A_212 = arith.xori %lt3A_207, %ne3A_211 : vector<4000x16xi1>
    %and3A_213 = arith.andi %ne3A_212, %ne3A_204 : vector<4000x16xi1>
    %add3A_214 = vector.broadcast %select_n3A_199 : i32 to vector<4000x16xi32>
    %add3A_215 = arith.addi %rem3A_201, %add3A_214 : vector<4000x16xi32>
    %select_n3A_216 = arith.select %and3A_213, %add3A_215, %rem3A_201 : vector<4000x16xi1>, vector<4000x16xi32>
    %eq3A_217 = arith.constant 0 : i32
    %eq3A_218 = vector.broadcast %eq3A_217 : i32 to vector<4000x16xi32>
    %eq3A_219 = arith.cmpi eq, %select_n3A_216, %eq3A_218 : vector<4000x16xi32>
    %jit3A_220 = arith.constant 1.000000e+00 : f32
    %jit3A_221 = arith.constant 0.000000e+00 : f32
    %broadcast_in_dim3A_222 = vector.broadcast %jit3A_220 : f32 to vector<4000x16xf32>
    %broadcast_in_dim3A_223 = vector.broadcast %jit3A_221 : f32 to vector<4000x16xf32>
    %select_n3A_224 = arith.select %eq3A_219, %broadcast_in_dim3A_222, %broadcast_in_dim3A_223 : vector<4000x16xi1>, vector<4000x16xf32>
    %sub3A_225 = arith.subf %select_n3A_224, %div3A_193 : vector<4000x16xf32>
    %swap3A = arith.constant 0 : index
    %swap3A_226 = arith.constant 0 : index
    %swap3A_227 = vector.load %arg6[%swap3A, %swap3A_226] : memref<4000x16xf32, #tpu.memory_space<vmem>>, vector<4000x16xf32>
    tpu.vector_store %arg6[%swap3A, %swap3A_226], %sub3A_225 {strides = array<i32>} : memref<4000x16xf32, #tpu.memory_space<vmem>>, vector<4000x16xf32>,
    return
  }
  func.func @transform_0(%arg0: i32) -> (i32, i32) {
    %c0_i32 = arith.constant 0 : i32
    %c0_i32_0 = arith.constant 0 : i32
    return %arg0, %c0_i32 : i32, i32
  }
  func.func @transform_1(%arg0: i32) -> (i32, i32) {
    %c0_i32 = arith.constant 0 : i32
    %c0_i32_0 = arith.constant 0 : i32
    %c0_i32_1 = arith.constant 0 : i32
    return %c0_i32, %c0_i32_0 : i32, i32
  }
  func.func @transform_2(%arg0: i32) -> (i32, i32) {
    %c0_i32 = arith.constant 0 : i32
    %c0_i32_0 = arith.constant 0 : i32
    %c0_i32_1 = arith.constant 0 : i32
    return %c0_i32, %c0_i32_0 : i32, i32
  }
  func.func @transform_3(%arg0: i32) -> (i32, i32) {
    %c0_i32 = arith.constant 0 : i32
    %c0_i32_0 = arith.constant 0 : i32
    %c0_i32_1 = arith.constant 0 : i32
    return %c0_i32, %c0_i32_0 : i32, i32
  }
  func.func @transform_4(%arg0: i32) -> (i32, i32) {
    %c0_i32 = arith.constant 0 : i32
    %c0_i32_0 = arith.constant 0 : i32
    %c0_i32_1 = arith.constant 0 : i32
    return %c0_i32, %c0_i32_0 : i32, i32
  }
  func.func @transform_5(%arg0: i32) -> (i32, i32) {
    %c0_i32 = arith.constant 0 : i32
    %c0_i32_0 = arith.constant 0 : i32
    return %arg0, %c0_i32 : i32, i32
  }
}

</mosaic_0001>

<sc_bundles>
// kernel: kernel.5.cloned.1.call-start
scs
__scs_entry_jumppad:
0x0: {  	(pc) =	sbr.rel $0x88, $3  }
0x1: {  	(tag) =	ssettag $0x0;
	lr =	simm.s32 $0x1  }
0x2: {  	[smem:$0x3F98] =	sst lr;
	_ =	strace $0xD0000000  }
0x3: {  	_ = 	snop  }
0x4: {  	_ = 	snop  }
0x5: {  	_ = 	snop  }
0x6: {  	_ = 	snop  }
0x7: {  	_ = 	snop  }
__scs_overlays_trampoline_lowered:
0x8: {  	[smem:$0x3FA7] =	sst s0  }
0x9: {  	[smem:$0x3FA8] =	sst s1  }
0xa: {  	[smem:$0x3FA9] =	sst s2  }
0xb: {  	[smem:$0x3FAA] =	sst s3  }
0xc: {  	[smem:$0x3FAB] =	sst s4  }
0xd: {  	[smem:$0x3FAC] =	sst s5  }
0xe: {  	[smem:$0x3FAD] =	sst s6  }
0xf: {  	[smem:$0x3FAE] =	sst s7  }
0x10: {  	[smem:$0x3FAF] =	sst s8  }
0x11: {  	[smem:$0x3FB0] =	sst s9;
	s0 =	simm.s32 @!p0 $0x0  }
0x12: {  	s1 =	sld [smem:$0x3F96];
	s0 =	simm.s32 @p0 $0x1  }
0x13: {  	[smem:$0x3FB1] =	sst s0;
	s0 =	simm.s32 @!p1 $0x0  }
0x14: {  	s2 =	sld [smem:$0x3F95];
	s0 =	simm.s32 @p1 $0x1  }
0x15: {  	[smem:$0x3FB2] =	sst s0;
	s0 =	simm.s32 @!p2 $0x0  }
0x16: {  	s3 =	sld [smem:$0x3FDB];
	s0 =	simm.s32 @p2 $0x1  }
0x17: {  	s4 =	simm.s32 $0x1BF5;
	[smem:$0x3FB4] =	sst s0  }
0x18: {  	s0 =	sld [smem:$0x3F97];
	_ =	swait.ge [sflag:s4], $0x0  }
0x19: {  	s7 =	sld [smem:$0x3F98]  }
0x1a: {  	s8 =	sadd.s32 $0xFFFFE003, lr  }
0x1b: {  	s9 =	sadd.s32 $0xFFFFFEF7, lr;
	s5 =	simm.s32 $0xFFFFFFFF;
	p2 =	slt.u32 s8, $0xFFFFF086  }
0x1c: {  	p1 =	slt.u32 s9, $0xF7A;
	s5 =	simm.s32 @!p2 $0x0  }
0x1d: {  	s5 =	simm.s32 @p1 $0x1;
	p0 =	seq.s32 s7, s2  }
0x1e: {  	s7 =	smul.u32 @!p0 $0xF7A, s2;
	p2 =	seq.s32 @!p0 s5, $0x0  }
0x1f: {  	s9 =	smul.u32 $0xF7A, s1;
	s8 =	simm.s32 @!p0 $0x1BF5;
	p2 =	por !p2, p0  }
0x20: {  	[sflag:s8] =	ssyncset.s32 @!p0 $0xFFFFF086;
	s6 =	sadd.s32 @!p0 s3, s7;
	s7 =	simm.s32 @!p0 $0x108  }
0x21: {  	s3 =	sadd.s32 s3, s9;
	s6 =	sadd.s32 @!p0 $0x88, s6;
	s7 =	simm.s32 @p2 $0x1082  }
0x22: {  	[simem:s7], [sflag:s8] =	dma.local @!p0 [hbm:s6], $0xF7A  }
0x23: {  	s9 =	sor.u32 $0xD0000000, s2;
	s6 =	simm.s32 $0x108;
	_ =	swait.ge @!p0 [sflag:s8], $0x0  }
0x24: {  	s3 =	sadd.s32 $0x88, s3;
	s6 =	simm.s32 @!p1 $0x1082;
	[sflag:s4] =	ssyncset.s32 $0xFFFFF086  }
0x25: {  	[simem:s6], [sflag:s4] =	dma.local [hbm:s3], $0xF7A  }
0x26: {  	[smem:$0x3F98] =	sst s1;
	(tag) =	ssettag s2;
	_ =	strace s9  }
0x27: {  	s1 =	sld [smem:$0x3FA8]  }
0x28: {  	s2 =	sld [smem:$0x3FA9]  }
0x29: {  	s4 =	sld [smem:$0x3FAB]  }
0x2a: {  	p0 =	seq.s32 s5, $0x0;
	s5 =	sld [smem:$0x3FAC]  }
0x2b: {  	s6 =	sld [smem:$0x3FAD]  }
0x2c: {  	s7 =	sld [smem:$0x3FAE]  }
0x2d: {  	s3 =	simm.s32 $0x108;
	s8 =	sld [smem:$0x3FAF]  }
0x2e: {  	s3 =	simm.s32 @!p0 $0x1082;
	s9 =	sld [smem:$0x3FB0]  }
0x2f: {  	lr =	sadd.s32 s0, s3;
	s0 =	sld [smem:$0x3FA7]  }
0x30: {  	s3 =	sld [smem:$0x3FAA]  }
0x31: {  	[smem:$0x3FB3] =	sst s10  }
0x32: {  	s10 =	sld [smem:$0x3FB1];
	_ =	sdelay $0x3  }
0x33: {  	p0 =	seq.s32 s10, $0x1;
	s10 =	sld [smem:$0x3FB3];
	_ =	sdelay $0x3  }
0x34: {  	[smem:$0x3FB3] =	sst s10  }
0x35: {  	s10 =	sld [smem:$0x3FB2];
	_ =	sdelay $0x3  }
0x36: {  	p1 =	seq.s32 s10, $0x1;
	s10 =	sld [smem:$0x3FB3];
	_ =	sdelay $0x3  }
0x37: {  	[smem:$0x3FB3] =	sst s10  }
0x38: {  	s10 =	sld [smem:$0x3FB4]  }
0x39: {  	_ = 	snop;
	(pc) =	sbr.ind lr, $3  }
0x3a: {  	_ = 	snop  }
0x3b: {  	_ = 	snop  }
0x3c: {  	p2 =	seq.s32 s10, $0x1;
	s10 =	sld [smem:$0x3FB3]  }
0x3d: {  	_ =	shalt  }
0x3e: {  	_ =	shalt  }
0x3f: {  	_ =	shalt  }
0x40: {  	_ =	shalt  }
0x41: {  	_ =	shalt  }
0x42: {  	_ =	shalt  }
0x43: {  	_ =	shalt  }
0x44: {  	_ =	shalt  }
0x45: {  	_ =	shalt  }
0x46: {  	_ =	shalt  }
0x47: {  	_ =	shalt  }
0x48: {  	_ =	shalt  }
0x49: {  	_ =	shalt  }
0x4a: {  	_ =	shalt  }
0x4b: {  	_ =	shalt  }
0x4c: {  	_ =	shalt  }
0x4d: {  	_ =	shalt  }
0x4e: {  	_ =	shalt  }
0x4f: {  	_ =	shalt  }
0x50: {  	_ =	shalt  }
0x51: {  	_ =	shalt  }
0x52: {  	_ =	shalt  }
0x53: {  	_ =	shalt  }
0x54: {  	_ =	shalt  }
0x55: {  	_ =	shalt  }
0x56: {  	_ =	shalt  }
0x57: {  	_ =	shalt  }
0x58: {  	_ =	shalt  }
0x59: {  	_ =	shalt  }
0x5a: {  	_ =	shalt  }
0x5b: {  	_ =	shalt  }
0x5c: {  	_ =	shalt  }
0x5d: {  	_ =	shalt  }
0x5e: {  	_ =	shalt  }
0x5f: {  	_ =	shalt  }
0x60: {  	_ =	shalt  }
0x61: {  	_ =	shalt  }
0x62: {  	_ =	shalt  }
0x63: {  	_ =	shalt  }
0x64: {  	_ =	shalt  }
0x65: {  	_ =	shalt  }
0x66: {  	_ =	shalt  }
0x67: {  	_ =	shalt  }
0x68: {  	_ =	shalt  }
0x69: {  	_ =	shalt  }
0x6a: {  	_ =	shalt  }
0x6b: {  	_ =	shalt  }
0x6c: {  	_ =	shalt  }
0x6d: {  	_ =	shalt  }
0x6e: {  	_ =	shalt  }
0x6f: {  	_ =	shalt  }
0x70: {  	_ =	shalt  }
0x71: {  	_ =	shalt  }
0x72: {  	_ =	shalt  }
0x73: {  	_ =	shalt  }
0x74: {  	_ =	shalt  }
0x75: {  	_ =	shalt  }
0x76: {  	_ =	shalt  }
0x77: {  	_ =	shalt  }
0x78: {  	_ =	shalt  }
0x79: {  	_ =	shalt  }
0x7a: {  	_ =	shalt  }
0x7b: {  	_ =	shalt  }
0x7c: {  	_ =	shalt  }
0x7d: {  	_ =	shalt  }
0x7e: {  	_ =	shalt  }
0x7f: {  	_ =	shalt  }
0x80: {  	_ =	shalt  }
0x81: {  	_ =	shalt  }
0x82: {  	_ =	shalt  }
0x83: {  	_ =	shalt  }
0x84: {  	_ =	shalt  }
0x85: {  	_ =	shalt  }
0x86: {  	_ =	shalt  }
0x87: {  	_ =	shalt  }
.Lfunc_end0:
.L_simem_size_0:
called_computation_lowered:
.L_overlay_start_0:
0x88: {  	s2 =	sld [smem:$0x3FD9]  }
0x89: {  	s3 =	sld [smem:$0x3FFE];
	_ =	sdelay $0x1  }
0x8a: {  	s1 =	srdreg.scid  }
0x8b: {  	s0 =	sand.u32 $0x1, s1  }
0x8c: {  	s17 =	sshll.u32 s0, $0xA;
	s2 =	sadd.s32 s3, s2  }
0x8d: {  	s2 =	sadd.s32 s2, s17  }
0x8e: {  	[smem:$0x3FBF] =	sst s2  }
0x8f: {  	_ = 	snop  }
0x90: {  	s2 =	sld [smem:$0x3FC7]  }
0x91: {  	s18 =	sld [smem:$0x3FD0];
	(tm) =	ssettm $0x1  }
0x92: {  	s4 =	sld [smem:$0x3FFB];
	_ =	sdelay $0x3  }
0x93: {  	_ =	strace s4  }
0x94: {  	s4 =	sld [smem:$0x3FFC];
	_ =	sdelay $0x3  }
0x95: {  	_ =	strace s4  }
0x96: {  	s4 =	sld [smem:$0x3FFD];
	_ =	sdelay $0x3  }
0x97: {  	_ =	strace s4  }
0x98: {  	_ =	strace $0x8FFFFFFF  }
0x99: {  	s19 =	sld [smem:$0x3FDB];
	_ =	sdelay $0x1  }
0x9a: {  	s5 =	simm.s32 $_scs_section_size  }
0x9b: {  	s6 =	simm.s32 $_size__tile_overlayer_lowered;
	s7 =	simm.s32 $_tile_overlayer_lowered  }
0x9c: {  	s22 =	simm.s32 $0x1BFF;
	s21 =	sshll.u32 s7, $0x1;
	s4 =	sadd.s32 s5, s19  }
0x9d: {  	s8 =	simm.s32 $0x0;
	s20 =	sshll.u32 s6, $0x1;
	s6 =	sadd.s32 s21, s4  }
0x9e: {  	[timem:s8], [sflag:s22] =	dma.local [hbm:s6], s20  }
0x9f: {  	_ =	swait.ge [sflag:s22], s20  }
0xa0: {  	s5 =	ssub.s32 $0x0, s20;
	[sflag:s22] =	ssyncset.done $0x0  }
0xa1: {  	[sflag:s22] =	ssyncadd.s32 s5;
	_ =	sdelay $0x1  }
0xa2: {  	s23 =	simm.s32 $0x1B8B  }
0xa3: {  	_ =	swait.ge [sflag:s23], $0x1  }
0xa4: {  	[sflag:s23] =	ssyncset.done $0x0  }
0xa5: {  	s25 =	simm.s32 $0x1B8E;
	s24 =	sld [smem:$0x3FFE];
	[sflag:s23] =	ssyncadd.s32 $0xFFFFFFFF  }
0xa6: {  	s26 =	simm.s32 $execute0_lowered;
	[smem:$0x3FD2] =	sst s25  }
0xa7: {  	s6 =	sshll.u32 s26, $0x1;
	_ =	strace $0x80000046;
	[dreg:$0x1] =	wrdreg $0xFFFFFFFF  }
0xa8: {  	s28 =	simm.s32 $_size_execute0_lowered;
	s4 =	sadd.s32 s4, s6;
	[dreg:$0x0] =	wrdreg $0x0  }
0xa9: {  	s6 =	sshll.u32 s28, $0x1;
	[dreg:$0x2] =	wrdreg s4  }
0xaa: {  	[dreg:$0x3] =	wrdreg s6  }
0xab: {  	[dreg:$0x4] =	wrdreg $0xC0  }
0xac: {  	_ =	task [dreg:s8], $0x5FFFF  }
0xad: {  	[dreg:$0x1] =	wrdreg $0xFFFFFFFF  }
0xae: {  	[dreg:$0x0] =	wrdreg $0x60  }
0xaf: {  	[dreg:$0x2] =	wrdreg s24  }
0xb0: {  	[dreg:$0x3] =	wrdreg s18  }
0xb1: {  	[dreg:$0x4] =	wrdreg s2  }
0xb2: {  	[dreg:$0x5] =	wrdreg $0x9  }
0xb3: {  	_ =	task.clear_ibuf [dreg:s8], $0x6FFFF;
	_ =	strace $0x90000046  }
0xb4: {  	s29 =	simm.s32 $0x9;
	_ =	strace $0x80000048  }
0xb5: {  	_ =	swait.ge [sflag:s29], $0x1  }
0xb6: {  	[sflag:s29] =	ssyncadd.s32 $0xFFFFFFFF  }
0xb7: {  	_ =	strace $0x90000048  }
0xb8: {  	_ =	sfence  }
0xb9: {  	s30 =	sld [smem:$0x0];
	_ =	sdelay $0x2  }
0xba: {  	s31 =	sshll.u32 s1, $0xD;
	s1 =	sshrl.u32 s1, $0x2  }
0xbb: {  	s3 =	sand.u32 $0x4000, s31;
	s1 =	sadd.s32 s1, s30  }
0xbc: {  	s0 =	sor.u32 s3, s0;
	s1 =	sshll.u32 s1, $0x11  }
0xbd: {  	s0 =	sor.u32 s1, s0  }
0xbe: {  	s0 =	sadd.s32 $0x8F2B, s0  }
0xbf: {  	[sflag:s0] =	ssyncadd.remote.s32 $0x1  }
0xc0: {  	_ =	sfence.sel $0xFFFF  }
0xc1: {  	[dreg:$0x0] =	wrdreg $0xFFFFFFFF;
	(pc) =	sbr.abs _section_cstart, $3  }
0xc2: {  	[dreg:$0x1] =	wrdreg $0xFFFFFFFF  }
0xc3: {  	_ =	task.clear_ibuf [dreg:s8], $0x2FFFF;
	_ =	strace $0x9FFFFFFF  }
0xc4: {  	(tm) =	ssettm $0x7FFFFFFF  }
0xc5: {  	_ =	shalt  }
tec
execute0_lowered:
.L_overlay_start_1:
0x0: {  	(tag) =	ssettag $0x1  }
0x1: {  	s0 =	rddreg [dreg:$0x0]  }
0x2: {  	s1 =	rddreg [dreg:$0x1]  }
0x3: {  	s2 =	rddreg [dreg:$0x2];
	s4 =	srdreg.scid  }
0x4: {  	s3 =	simm.s32 $0x0;
	s9 =	stileid.u32;
	s11 =	simm.s32 $0x6  }
0x5: {  	s12 =	simm.s32 $0x100;
	s13 =	simm.s32 $0x200;
	s14 =	simm.s32 $0x80  }
0x6: {  	s15 =	simm.s32 $0x300;
	s16 =	simm.s32 $0x500;
	s17 =	simm.s32 $0x380  }
0x7: {  	s18 =	simm.s32 $0x4500;
	s19 =	simm.s32 $0x400;
	s20 =	simm.s32 $0x8500  }
0x8: {  	s21 =	simm.s32 $0x480;
	s22 =	simm.s32 $0xC500;
	s23 =	simm.s32 $0x1  }
0x9: {  	s24 =	simm.s32 $0x2;
	s25 =	simm.s32 $0x3;
	s4 =	sand.u32 $0x1, s4  }
.Ltmp0:
0xa: {  	s26 =	simm.s32 $0x4;
	s5 =	ssub.s32 $0x2, s4;
	(pc) =	sbr.rel .LBB2_1-.Ltmp0, $4  }
0xb: {  	s28 =	simm.s32 $0x5;
	s29 =	simm.s32 $0x0;
	s8 =	sshrl.u32 s5, $0x1  }
0xc: {  	v0 =	vimm.f32 $0.0e+00;
	vm0 =	vcmask $0x700;
	[smem:$0x7FF] =	sst s3;
	s6 =	sadd.s32 $0xAE00, s0;
	s5 =	ssub.s32 s5, s8  }
0xd: {  	vm15 =	vcmask $0xB08;
	s7 =	sadd.s32 $0x1000, s0;
	s9 =	sshll.u32 s9, $0x1;
	v0 =	vsel vm0, $0x3B800000, v0;
	s31 =	smax.u32 s5, $0x1  }
0xe: {  	_ =	strace $0x80000047;
	v0 =	vsel vm15, $0x3F800000, v0;
	s8 =	sadd.s32 $0x27BE00, s0;
	[dreg:$0x4] =	wrdreg s31  }
.LBB2_7:
0xf: {  	s29 =	sadd.s32 $0x1, s29;
	s0 =	rddreg [dreg:$0x4]  }
0x10: {  	p0 =	sne.s32 s29, s0  }
.Ltmp1:
0x11: {  	_ = 	snop;
	(pc) =	sbr.rel @!p0 .LBB2_8-.Ltmp1, $1  }
0x12: {  	_ =	sdelay $0x3  }
.LBB2_1:
.Ltmp2:
0x13: {  	(pc) =	sbr.rel .LBB2_2-.Ltmp2, $2  }
0x14: {  	_ =	sdelay $0x2  }
0x15: {  	s30 =	simm.s32 $0x0  }
.LBB2_6:
0x16: {  	s30 =	sadd.s32 $0x1, s30  }
0x17: {  	p0 =	sne.s32 s30, $0x28  }
.Ltmp3:
0x18: {  	_ = 	snop;
	(pc) =	sbr.rel @!p0 .LBB2_7-.Ltmp3, $1  }
0x19: {  	_ =	sdelay $0x3  }
.LBB2_2:
0x1a: {  	s0 =	sshll.u32 s30, $0x5  }
0x1b: {  	s0 =	sor.u32 s9, s0  }
0x1c: {  	p0 =	sgt.u32 s0, $0x4E1  }
.Ltmp4:
0x1d: {  	_ = 	snop;
	(pc) =	sbr.rel @p0 .LBB2_6-.Ltmp4, $1  }
0x1e: {  	_ =	sdelay $0x3  }
0x1f: {  	s31 =	sor.u32 s4, s0  }
0x20: {  	s0 =	sshll.u32 s31, $0x5  }
0x21: {  	s10 =	simm.s32 $0x0;
	s5 =	sadd.s32 s7, s0  }
0x22: {  	[tilespmem:s10], [sflag:$0x6] =	stream.linear.gather [hbm4b:s5+s10], $0x100, $0x38;
	[tilespmem:$0x10500] =	vst v63  }
0x23: {  	_ =	swait.ge [sflag:s11], $0x100  }
0x24: {  	[sflag:s11] =	ssyncset.done $0x0  }
0x25: {  	s5 =	sadd.s32 s1, s0;
	[sflag:s11] =	ssyncadd.s32 $0xFFFFFF00  }
0x26: {  	[tilespmem:s12], [sflag:$0x6] =	stream.linear.gather [hbm4b:s5+s10], $0x100, $0x38;
	[tilespmem:$0x10500] =	vst v63  }
0x27: {  	_ =	swait.ge [sflag:s11], $0x100  }
0x28: {  	[sflag:s11] =	ssyncset.done $0x0  }
0x29: {  	s0 =	sadd.s32 s2, s0;
	[sflag:s11] =	ssyncadd.s32 $0xFFFFFF00  }
0x2a: {  	[tilespmem:s13], [sflag:$0x6] =	stream.linear.gather [hbm4b:s0+s10], $0x100, $0x38;
	[tilespmem:$0x10500] =	vst v63  }
0x2b: {  	_ =	swait.ge [sflag:s11], $0x100  }
0x2c: {  	[sflag:s11] =	ssyncset.done $0x0  }
0x2d: {  	[sflag:s11] =	ssyncadd.s32 $0xFFFFFF00  }
0x2e: {  	v1 =	vld [tilespmem:$0x0]  }
0x2f: {  	v2 =	vld [tilespmem:$0x100]  }
0x30: {  	v3 =	vld [tilespmem:$0x200]  }
0x31: {  	v4 =	vld [tilespmem:$0x10]  }
0x32: {  	v5 =	vld [tilespmem:$0x110]  }
0x33: {  	v6 =	vld [tilespmem:$0x210]  }
0x34: {  	v7 =	vld [tilespmem:$0x20]  }
0x35: {  	v8 =	vld [tilespmem:$0x120]  }
0x36: {  	v9 =	vld [tilespmem:$0x220]  }
0x37: {  	v10 =	vld [tilespmem:$0x30]  }
0x38: {  	v11 =	vld [tilespmem:$0x130]  }
0x39: {  	v12 =	vld [tilespmem:$0x230]  }
0x3a: {  	v13 =	vld [tilespmem:$0x40]  }
0x3b: {  	v14 =	vld [tilespmem:$0x140]  }
0x3c: {  	v15 =	vld [tilespmem:$0x240]  }
0x3d: {  	v16 =	vld [tilespmem:$0x50]  }
0x3e: {  	v17 =	vld [tilespmem:$0x150]  }
0x3f: {  	v18 =	vld [tilespmem:$0x250]  }
0x40: {  	v19 =	vld [tilespmem:$0x60]  }
0x41: {  	v20 =	vld [tilespmem:$0x160]  }
0x42: {  	v21 =	vld [tilespmem:$0x260];
	v3 =	vmul.u32 $0x2710, v3  }
0x43: {  	v22 =	vld [tilespmem:$0x70]  }
0x44: {  	v59 =	vld [tilespmem:$0xA0];
	v1 =	vadd.s32 v1, v3;
	v2 =	vadd.s32 v3, v2;
	v3 =	vmul.u32 $0x2710, v6  }
0x45: {  	v61 =	vld [tilespmem:$0x2A0];
	[tilespmem:$0x300] =	vst v1;
	v1 =	vadd.s32 $0x13880, v2  }
0x46: {  	v62 =	vld [tilespmem:$0x1B0];
	[tilespmem:$0x400] =	vst v1;
	v1 =	vadd.s32 v4, v3;
	v3 =	vadd.s32 v3, v5;
	v4 =	vmul.u32 $0x2710, v9  }
0x47: {  	v63 =	vld [tilespmem:$0x2B0];
	[tilespmem:$0x310] =	vst v1;
	v1 =	vadd.s32 $0x13880, v3  }
0x48: {  	v6 =	vld [tilespmem:$0x170];
	[tilespmem:$0x410] =	vst v1;
	v1 =	vadd.s32 v7, v4;
	v4 =	vadd.s32 v4, v8;
	v7 =	vmul.u32 $0x2710, v12  }
0x49: {  	v2 =	vld [tilespmem:$0x270];
	[tilespmem:$0x320] =	vst v1;
	v1 =	vadd.s32 $0x13880, v4  }
0x4a: {  	v5 =	vld [tilespmem:$0x80];
	v9 =	vmul.u32 $0x2710, v15;
	[tilespmem:$0x420] =	vst v1;
	v1 =	vadd.s32 v10, v7;
	v7 =	vadd.s32 v7, v11  }
0x4b: {  	v3 =	vld [tilespmem:$0x180];
	[tilespmem:$0x330] =	vst v1;
	v1 =	vadd.s32 $0x13880, v7  }
0x4c: {  	v8 =	vld [tilespmem:$0x280];
	v11 =	vmul.u32 $0x2710, v18;
	[tilespmem:$0x430] =	vst v1;
	v1 =	vadd.s32 v13, v9;
	v9 =	vadd.s32 v9, v14  }
0x4d: {  	v4 =	vld [tilespmem:$0x90];
	[tilespmem:$0x340] =	vst v1;
	v1 =	vadd.s32 $0x13880, v9  }
0x4e: {  	v60 =	vmul.u32 $0x2710, v21;
	v10 =	vld [tilespmem:$0x190];
	[tilespmem:$0x440] =	vst v1;
	v1 =	vadd.s32 v16, v11;
	v11 =	vadd.s32 v11, v17  }
0x4f: {  	v7 =	vld [tilespmem:$0x290];
	[tilespmem:$0x350] =	vst v1;
	v1 =	vadd.s32 $0x13880, v11  }
0x50: {  	v2 =	vmul.u32 $0x2710, v2;
	v13 =	vadd.s32 v60, v20;
	v9 =	vld [tilespmem:$0x1A0];
	[tilespmem:$0x450] =	vst v1;
	v1 =	vadd.s32 v19, v60  }
0x51: {  	v11 =	vld [tilespmem:$0xB0];
	[tilespmem:$0x360] =	vst v1;
	v1 =	vadd.s32 $0x13880, v13  }
0x52: {  	[tilespmem:$0x460] =	vst v1;
	v1 =	vadd.s32 v22, v2;
	v2 =	vadd.s32 v2, v6;
	v6 =	vmul.u32 $0x2710, v8;
	v8 =	vld [tilespmem:$0xC0]  }
0x53: {  	[tilespmem:$0x370] =	vst v1;
	v1 =	vadd.s32 $0x13880, v2;
	v2 =	vld [tilespmem:$0x1C0]  }
0x54: {  	[tilespmem:$0x470] =	vst v1;
	v1 =	vadd.s32 v5, v6;
	v3 =	vadd.s32 v6, v3;
	v5 =	vmul.u32 $0x2710, v7;
	v6 =	vld [tilespmem:$0x2C0]  }
0x55: {  	v7 =	vld [tilespmem:$0x1D0];
	[tilespmem:$0x380] =	vst v1;
	v1 =	vadd.s32 $0x13880, v3  }
0x56: {  	v3 =	vld [tilespmem:$0xD0];
	[tilespmem:$0x480] =	vst v1;
	v1 =	vadd.s32 v4, v5;
	v4 =	vadd.s32 v5, v10;
	v5 =	vmul.u32 $0x2710, v61  }
0x57: {  	[tilespmem:$0x390] =	vst v1;
	v1 =	vadd.s32 $0x13880, v4;
	v4 =	vld [tilespmem:$0x2D0]  }
0x58: {  	v10 =	vld [tilespmem:$0xE0];
	[tilespmem:$0x490] =	vst v1;
	v1 =	vadd.s32 v59, v5;
	v5 =	vadd.s32 v5, v9;
	v9 =	vmul.u32 $0x2710, v63  }
0x59: {  	[tilespmem:$0x3A0] =	vst v1;
	v1 =	vadd.s32 $0x13880, v5;
	v5 =	vld [tilespmem:$0x2E0]  }
0x5a: {  	v6 =	vmul.u32 $0x2710, v6;
	[tilespmem:$0x4A0] =	vst v1;
	v1 =	vadd.s32 v11, v9;
	v9 =	vadd.s32 v9, v62;
	v11 =	vld [tilespmem:$0x1E0]  }
0x5b: {  	[tilespmem:$0x3B0] =	vst v1;
	v1 =	vadd.s32 $0x13880, v9;
	v9 =	vld [tilespmem:$0x2F0]  }
0x5c: {  	v2 =	vadd.s32 v6, v2;
	[tilespmem:$0x4B0] =	vst v1;
	v1 =	vadd.s32 v8, v6;
	v4 =	vmul.u32 $0x2710, v4;
	v6 =	vld [tilespmem:$0xF0]  }
0x5d: {  	[tilespmem:$0x3C0] =	vst v1;
	v1 =	vadd.s32 $0x13880, v2;
	v2 =	vld [tilespmem:$0x1F0]  }
0x5e: {  	[tilespmem:$0x4C0] =	vst v1;
	v1 =	vadd.s32 v3, v4;
	v3 =	vadd.s32 v4, v7;
	v4 =	vmul.u32 $0x2710, v5  }
0x5f: {  	[tilespmem:$0x3D0] =	vst v1;
	v1 =	vadd.s32 $0x13880, v3  }
0x60: {  	[tilespmem:$0x4D0] =	vst v1;
	v1 =	vadd.s32 v10, v4;
	v3 =	vadd.s32 v4, v11;
	v4 =	vmul.u32 $0x2710, v9  }
0x61: {  	[tilespmem:$0x3E0] =	vst v1;
	v1 =	vadd.s32 $0x13880, v3  }
0x62: {  	[tilespmem:$0x4E0] =	vst v1;
	v1 =	vadd.s32 v6, v4;
	v2 =	vadd.s32 v4, v2  }
0x63: {  	[tilespmem:$0x3F0] =	vst v1;
	v1 =	vadd.s32 $0x13880, v2  }
0x64: {  	[tilespmem:$0x4F0] =	vst v1  }
0x65: {  	[tilespmem:s16], [sflag:$0x1] =	stream.indirect.gather [hbm4b:s6+s14], $0x80, s15, s14, $0xb8;
	[tilespmem:$0x10500] =	vst v63  }
0x66: {  	_ = 	snop  }
0x67: {  	[tilespmem:s18], [sflag:$0x2] =	stream.indirect.gather [hbm4b:s6+s14], $0x80, s17, s14, $0xb8;
	[tilespmem:$0x10500] =	vst v63  }
0x68: {  	_ = 	snop  }
0x69: {  	[tilespmem:s20], [sflag:$0x3] =	stream.indirect.gather [hbm4b:s6+s14], $0x80, s19, s14, $0xb8;
	[tilespmem:$0x10500] =	vst v63  }
0x6a: {  	_ = 	snop  }
0x6b: {  	[tilespmem:s22], [sflag:$0x4] =	stream.indirect.gather [hbm4b:s6+s14], $0x80, s21, s14, $0xb8;
	[tilespmem:$0x10500] =	vst v63  }
0x6c: {  	_ =	swait.ge [sflag:s23], $0x4000  }
0x6d: {  	[sflag:s23] =	ssyncset.done $0x0  }
0x6e: {  	[sflag:s23] =	ssyncadd.s32 $0xFFFFC000  }
0x6f: {  	_ =	swait.ge [sflag:s24], $0x4000  }
0x70: {  	[sflag:s24] =	ssyncset.done $0x0  }
0x71: {  	[sflag:s24] =	ssyncadd.s32 $0xFFFFC000  }
0x72: {  	_ =	swait.ge [sflag:s25], $0x4000  }
0x73: {  	[sflag:s25] =	ssyncset.done $0x0  }
0x74: {  	[sflag:s25] =	ssyncadd.s32 $0xFFFFC000  }
0x75: {  	_ =	swait.ge [sflag:s26], $0x4000  }
0x76: {  	[sflag:s26] =	ssyncset.done $0x0  }
0x77: {  	s0 =	simm.s32 $0x0;
	[sflag:s26] =	ssyncadd.s32 $0xFFFFC000  }
0x78: {  	v3 =	vld [tilespmem:s0+$0x8500]  }
0x79: {  	v4 =	vld [tilespmem:s0+$0x8510]  }
0x7a: {  	v5 =	vld [tilespmem:s0+$0x8520]  }
0x7b: {  	v2 =	vld [tilespmem:s0+$0x8530]  }
0x7c: {  	v1 =	vld [tilespmem:s0+$0x8540]  }
0x7d: {  	v6 =	vld [tilespmem:s0+$0x500]  }
0x7e: {  	v8 =	vld [tilespmem:s0+$0x510]  }
0x7f: {  	s5 =	simm.s32 $0x200;
	v7 =	vld [tilespmem:s0+$0x520]  }
.LBB2_4:
0x80: {  	p0 =	sne.s32 s5, $0x1FE00;
	v9 =	vld [tilespmem:s0+$0x540];
	v10 =	vmov v2  }
0x81: {  	s10 =	sshra.s32 s5, $0x2;
	v11 =	vld [tilespmem:s0+$0x530]  }
0x82: {  	v12 =	vld [tilespmem:s10+$0x8500]  }
0x83: {  	v3 =	vadd.f32 v3, v6;
	v13 =	vld [tilespmem:s10+$0x8510]  }
0x84: {  	v4 =	vadd.f32 v4, v8;
	v14 =	vld [tilespmem:s10+$0x8520]  }
.Ltmp5:
0x85: {  	v7 =	vadd.f32 v5, v7;
	v2 =	vld [tilespmem:s10+$0x8530];
	[tilespmem:s0+$0x500] =	vst v3;
	v5 =	vadd.f32 v1, v9;
	(pc) =	sbr.rel @p0 .LBB2_4-.Ltmp5, $4  }
0x86: {  	v1 =	vld [tilespmem:s10+$0x8540];
	[tilespmem:s0+$0x510] =	vst v4;
	v9 =	vadd.f32 v10, v11  }
0x87: {  	v6 =	vld [tilespmem:s10+$0x500];
	[tilespmem:s0+$0x520] =	vst v7;
	v10 =	vmul.f32 v0, v5;
	v3 =	vmov v12  }
0x88: {  	v8 =	vld [tilespmem:s10+$0x510];
	[tilespmem:s0+$0x530] =	vst v9;
	v4 =	vmov v13  }
0x89: {  	s5 =	sadd.s32 $0x200, s5;
	v7 =	vld [tilespmem:s10+$0x520];
	[tilespmem:s0+$0x540] =	vst v10;
	v5 =	vmov v14;
	s0 =	smov.u32 s10  }
0x8a: {  	v9 =	vld [tilespmem:s0+$0x540]  }
0x8b: {  	v10 =	vld [tilespmem:s0+$0x530];
	_ =	sdelay $0x1  }
0x8c: {  	v3 =	vadd.f32 v3, v6  }
0x8d: {  	v4 =	vadd.f32 v4, v8  }
0x8e: {  	[tilespmem:s0+$0x500] =	vst v3;
	v3 =	vadd.f32 v5, v7;
	v1 =	vadd.f32 v1, v9  }
0x8f: {  	[tilespmem:s0+$0x510] =	vst v4;
	v2 =	vadd.f32 v2, v10  }
0x90: {  	[tilespmem:s0+$0x520] =	vst v3;
	v1 =	vmul.f32 v0, v1  }
0x91: {  	s5 =	sshll.u32 s31, $0xC;
	[tilespmem:s0+$0x530] =	vst v2  }
.Ltmp6:
0x92: {  	s31 =	sadd.s32 s8, s5;
	[tilespmem:s0+$0x540] =	vst v1;
	(pc) =	sbr.rel .LBB2_6-.Ltmp6, $4  }
0x93: {  	[hbm4b:s31+s3] =	stream.linear.scatter [tilespmem:s16], [sflag:$0x5], $0x8000, $0x38;
	[tilespmem:$0x10500] =	vst v63  }
0x94: {  	_ =	swait.ge [sflag:s28], $0x8000  }
0x95: {  	[sflag:s28] =	ssyncset.done $0x0  }
0x96: {  	[sflag:s28] =	ssyncadd.s32 $0xFFFF8000  }
.LBB2_8:
0x97: {  	_ =	sfence.sel $0x180000  }
0x98: {  	[bflag:$0x0] =	sbarrier.arrive $0xFFFF  }
0x99: {  	_ =	strace $0x90000047  }
0x9a: {  	s0 =	stileid.u32;
	[bflag:$0x2] =	sbarrier.arrive $0xFFFF  }
0x9b: {  	p0 =	sne.s32 s0, $0x0;
	s0 =	rddreg [dreg:$0x3]  }
0x9c: {  	s0 =	sadd.s32 @!p0 $0x100000, s0  }
0x9d: {  	[sflag:s0] =	ssyncadd.tile.s32 @!p0 $0x1;
	_ =	shalt  }
.Lfunc_end2:
_tile_overlayer_lowered:
.L_overlay_start_2:
0x9e: {  	(tag) =	ssettag $0x2  }
0x9f: {  	s0 =	rddreg [dreg:$0x0];
	s2 =	stileid.u32  }
0xa0: {  	s1 =	rddreg [dreg:$0x1];
	p0 =	sne.s32 s2, $0x0  }
0xa1: {  	s3 =	rddreg [dreg:$0x2];
	[bflag:$0x3] =	sbarrier.arrive $0xFFFF;
	s2 =	simm.s32 @!p0 $0x1C05  }
0xa2: {  	[timem:s3], [sflag:s2] =	dma.local @!p0 [hbm:s0], s1  }
0xa3: {  	s0 =	simm.s32 @!p0 $0x5  }
0xa4: {  	_ =	swait.ge @!p0 [sflag:s0], s1  }
0xa5: {  	s1 =	ssub.s32 @!p0 $0x0, s1;
	[sflag:s0] =	ssyncset.done @!p0 $0x0  }
0xa6: {  	[sflag:s0] =	ssyncadd.s32 @!p0 s1  }
0xa7: {  	[bflag:$0x3] =	sbarrier.arrive $0xFFFF  }
0xa8: {  	_ =	shalt  }

</sc_bundles>
